<compile_context>
chip_gen: v7x
topology: tpu7x:2x2x1
jax: 0.10.2.dev20260603
libtpu: 0.0.44.dev20260713+nightly
codegen_flags: <defaults>
</compile_context>

<pallas_src>
import functools

import jax
import jax.numpy as jnp
from jax import lax
from jax.experimental import pallas as pl
from jax.experimental.pallas import tpu as pltpu
from jax.experimental.pallas import tpu_sc as plsc

N = 10000
E = 320000
H = 128
G = 64

NPAD = 10240
NW = 32
CHUNK = 128
NCH = 80
EPAD = NW * NCH * CHUNK
PER_W = NCH * CHUNK
ROWS_PER_TILE = NPAD // 16


def _make_spmm(D):
  mesh = plsc.VectorSubcoreMesh(core_axis_name="c", subcore_axis_name="s")

  @functools.partial(
      pl.kernel,
      out_type=jax.ShapeDtypeStruct((2, NPAD, D), jnp.float32),
      mesh=mesh,
      scratch_types=[
          pltpu.VMEM((PER_W,), jnp.int32),
          pltpu.VMEM((NCH, CHUNK), jnp.int32),
          pltpu.VMEM((CHUNK, D), jnp.float32),
          pltpu.VMEM_SHARED((NPAD, D), jnp.float32),
          pltpu.SemaphoreType.DMA,
      ],
  )
  def spmm(src_hbm, dst_hbm, m_hbm, zeros_hbm, out_hbm,
           src_v, dst_v, rows_v, acc_sh, sem):
    cid = lax.axis_index("c")
    sid = lax.axis_index("s")
    wid = sid * 2 + cid
    pltpu.sync_copy(zeros_hbm.at[pl.ds(sid * ROWS_PER_TILE, ROWS_PER_TILE)],
                    acc_sh.at[pl.ds(sid * ROWS_PER_TILE, ROWS_PER_TILE)])
    pltpu.sync_copy(src_hbm.at[wid], src_v)
    pltpu.sync_copy(dst_hbm.at[wid], dst_v)
    plsc.subcore_barrier()

    def body(j, carry):
      off = pl.multiple_of(j * CHUNK, CHUNK)
      pltpu.async_copy(m_hbm.at[src_v.at[pl.ds(off, CHUNK)]], rows_v,
                       sem).wait()
      pltpu.sync_copy(rows_v, acc_sh.at[dst_v.at[j]], add=True)
      return carry

    lax.fori_loop(0, NCH, body, 0)
    plsc.subcore_barrier()
    pltpu.sync_copy(acc_sh.at[pl.ds(sid * ROWS_PER_TILE, ROWS_PER_TILE)],
                    out_hbm.at[cid].at[pl.ds(sid * ROWS_PER_TILE,
                                             ROWS_PER_TILE)])

  return spmm


_SPMM_CACHE = {}


def _spmm128(*args):
  if H not in _SPMM_CACHE:
    _SPMM_CACHE[H] = _make_spmm(H)
  return _SPMM_CACHE[H](*args)


_PREC = lax.Precision.HIGHEST


def _bdot(a, b):
  return jnp.dot(a.astype(jnp.bfloat16), b.astype(jnp.bfloat16),
                 preferred_element_type=jnp.float32)


def _matmul_body(a_ref, b_ref, o_ref):
  o_ref[...] = _bdot(a_ref[...], b_ref[...])


def _tc_matmul(a, b):
  k = a.shape[1]
  blk = 1024
  return pl.pallas_call(
      _matmul_body,
      grid=(NPAD // blk,),
      in_specs=[
          pl.BlockSpec((blk, k), lambda i: (i, 0)),
          pl.BlockSpec((k, H), lambda i: (0, 0)),
      ],
      out_specs=pl.BlockSpec((blk, H), lambda i: (i, 0)),
      out_shape=jax.ShapeDtypeStruct((NPAD, H), jnp.float32),
  )(a, b)


def _layer_body(relu, use_rel, acc0, acc1, h, wrel, wroot, b, o):
  agg = acc0[0] + acc1[0]
  rel = _bdot(agg, wrel[...]) if use_rel else agg
  r = rel + _bdot(h[...], wroot[...]) + b[...]
  o[...] = jnp.maximum(r, 0.0) if relu else r


def _tc_layer(acc, h, wrel_t, wroot_t, b, relu, use_rel=True):
  din = h.shape[1]
  dagg = acc.shape[2]
  blk = 1024
  grid = NPAD // blk
  return pl.pallas_call(
      functools.partial(_layer_body, relu, use_rel),
      grid=(grid,),
      in_specs=[
          pl.BlockSpec((1, blk, dagg), lambda i: (0, i, 0)),
          pl.BlockSpec((1, blk, dagg), lambda i: (1, i, 0)),
          pl.BlockSpec((blk, din), lambda i: (i, 0)),
          pl.BlockSpec((dagg, H), lambda i: (0, 0)),
          pl.BlockSpec((din, H), lambda i: (0, 0)),
          pl.BlockSpec((1, H), lambda i: (0, 0)),
      ],
      out_specs=pl.BlockSpec((blk, H), lambda i: (i, 0)),
      out_shape=jax.ShapeDtypeStruct((NPAD, H), jnp.float32),
  )(acc, acc, h, wrel_t, wroot_t, b)


def _pool_body(h_ref, batch_ref, wlin_ref, blin_ref, o_ref):
  bvec = batch_ref[...]
  gids = lax.broadcasted_iota(jnp.int32, (1, G), 1)
  onehot = (bvec == gids).astype(jnp.float32)
  sums = lax.dot_general(onehot, h_ref[...],
                         (((0,), (0,)), ((), ())),
                         preferred_element_type=jnp.float32)
  cnt = jnp.sum(onehot, axis=0)[:, None]
  pooled = sums / jnp.maximum(cnt, 1.0)
  o_ref[...] = _bdot(pooled, wlin_ref[...]) + blin_ref[...]


def _pool(h, batch_p, wlin_t, blin):
  return pl.pallas_call(
      _pool_body,
      out_shape=jax.ShapeDtypeStruct((G, 2), jnp.float32),
  )(h, batch_p, wlin_t, blin)


def kernel(x, edge_index, batch, W1_rel, b1_rel, W1_root, W2_rel, b2_rel,
           W2_root, W3_rel, b3_rel, W3_root, W4_rel, b4_rel, W4_root,
           W_lin, b_lin):
  src = edge_index[0]
  dst = edge_index[1]
  npadd = EPAD - E
  src_w = jnp.concatenate([src, jnp.zeros((npadd,), jnp.int32)]).reshape(
      NW, PER_W)
  dst_w = jnp.concatenate([dst, jnp.full((npadd,), NPAD - 1, jnp.int32)]
                          ).reshape(NW, NCH, CHUNK)
  x_p = jnp.pad(x, ((0, NPAD - N), (0, 0)))
  batch_p = jnp.pad(batch, (0, NPAD - N), constant_values=G)[:, None]
  zeros128 = jnp.zeros((NPAD, H), jnp.float32)

  m1 = _tc_matmul(x_p, W1_rel.T)
  agg1x = _spmm128(src_w, dst_w, m1, zeros128)
  h1 = _tc_layer(agg1x, x_p, jnp.eye(H, dtype=jnp.float32),
                 W1_root.T, b1_rel[None, :], True, use_rel=False)
  agg1 = _spmm128(src_w, dst_w, h1, zeros128)
  h2 = _tc_layer(agg1, h1, W2_rel.T, W2_root.T, b2_rel[None, :], True)
  agg2 = _spmm128(src_w, dst_w, h2, zeros128)
  h3 = _tc_layer(agg2, h2, W3_rel.T, W3_root.T, b3_rel[None, :], True)
  agg3 = _spmm128(src_w, dst_w, h3, zeros128)
  h4 = _tc_layer(agg3, h3, W4_rel.T, W4_root.T, b4_rel[None, :], False)
  return _pool(h4, batch_p, W_lin.T, b_lin[None, :])

# --- scband reference (transcript-rebuilt; emitter-appended) ---
"""Pipeline reference for scband-gnn-60421599920514 (READ-ONLY COPY).

The authoritative reference and input builder live on the scoring server;
editing this copy changes nothing except your own understanding.
"""

import jax, jax.numpy as jnp
import numpy as np

N = 10000
E = 320000
H = 128
G = 64


def _graph_conv(x, src, dst, W_rel, b_rel, W_root):
    # PyG GraphConv: out_i = W_root x_i + W_rel * sum_{j in N(i)} x_j + b
    agg = jax.ops.segment_sum(x[src], dst, num_segments=N)
    return agg @ W_rel.T + b_rel + x @ W_root.T


def setup_inputs(seed: int = 0):
    key = jax.random.key(seed)
    ks = jax.random.split(key, 16)
    s = 0.05
    inp = {}
    inp["x"] = jax.random.normal(ks[0], (N, 8), dtype=jnp.float32)
    inp["edge_index"] = jax.random.randint(ks[1], (2, E), 0, N, dtype=jnp.int32)
    inp["batch"] = jnp.sort(jax.random.randint(ks[2], (N,), 0, G, dtype=jnp.int32))
    inp["W1_rel"] = jax.random.normal(ks[3], (H, 8), dtype=jnp.float32) * s
    inp["b1_rel"] = jnp.zeros((H,), dtype=jnp.float32)
    inp["W1_root"] = jax.random.normal(ks[4], (H, 8), dtype=jnp.float32) * s
    inp["W2_rel"] = jax.random.normal(ks[5], (H, H), dtype=jnp.float32) * s
    inp["b2_rel"] = jnp.zeros((H,), dtype=jnp.float32)
    inp["W2_root"] = jax.random.normal(ks[6], (H, H), dtype=jnp.float32) * s
    inp["W3_rel"] = jax.random.normal(ks[7], (H, H), dtype=jnp.float32) * s
    inp["b3_rel"] = jnp.zeros((H,), dtype=jnp.float32)
    inp["W3_root"] = jax.random.normal(ks[8], (H, H), dtype=jnp.float32) * s
    inp["W4_rel"] = jax.random.normal(ks[9], (H, H), dtype=jnp.float32) * s
    inp["b4_rel"] = jnp.zeros((H,), dtype=jnp.float32)
    inp["W4_root"] = jax.random.normal(ks[10], (H, H), dtype=jnp.float32) * s
    inp["W_lin"] = jax.random.normal(ks[11], (2, H), dtype=jnp.float32) * s
    inp["b_lin"] = jnp.zeros((2,), dtype=jnp.float32)
    return inp


def reference(x, edge_index, batch, W1_rel, b1_rel, W1_root, W2_rel, b2_rel, W2_root, W3_rel, b3_rel, W3_root, W4_rel, b4_rel, W4_root, W_lin, b_lin):
    src = edge_index[0]
    dst = edge_index[1]
    h = jax.nn.relu(_graph_conv(x, src, dst, W1_rel, b1_rel, W1_root))
    h = jax.nn.relu(_graph_conv(h, src, dst, W2_rel, b2_rel, W2_root))
    h = jax.nn.relu(_graph_conv(h, src, dst, W3_rel, b3_rel, W3_root))
    h = _graph_conv(h, src, dst, W4_rel, b4_rel, W4_root)
    sums = jax.ops.segment_sum(h, batch, num_segments=G)
    cnt = jax.ops.segment_sum(jnp.ones((N, 1), dtype=jnp.float32), batch, num_segments=G)
    pooled = sums / jnp.maximum(cnt, 1.0)
    # dropout(p=0.4) is identity in eval mode
    return pooled @ W_lin.T + b_lin

if __name__ == "__main__":
    import jax
    _d = setup_inputs()
    print(jax.jit(kernel)(*tuple(_d.values())))

</pallas_src>

<mosaic_0001>
#map = affine_map<(d0, d1) -> (0, 0)>
#map1 = affine_map<(d0, d1) -> (0, 0, 0)>
module attributes {stable_mosaic.version = 14 : i64} {
  func.func @spmm(%arg0: i32, %arg1: i32, %arg2: memref<32x10240xi32, #tpu.memory_space<hbm>>, %arg3: memref<32x80x128xi32, #tpu.memory_space<hbm>>, %arg4: memref<10240x128xf32, #tpu.memory_space<hbm>>, %arg5: memref<10240x128xf32, #tpu.memory_space<hbm>>, %arg6: memref<2x10240x128xf32, #tpu.memory_space<hbm>>, %arg7: memref<10240xi32, #tpu.memory_space<vmem>>, %arg8: memref<80x128xi32, #tpu.memory_space<vmem>>, %arg9: memref<128x128xf32, #tpu.memory_space<vmem>>, %arg10: memref<10240x128xf32, #tpu.memory_space<vmem_shared>>, %arg11: memref<!tpu.dma_semaphore, #tpu.memory_space<semaphore_mem>>) attributes {dimension_semantics = [#tpu.dimension_semantics<core_parallel>, #tpu.dimension_semantics<subcore_parallel>], iteration_bounds = array<i64: 2, 16>, scalar_prefetch = 0 : i64, scratch_operands = 5 : i64, tpu.core_type = #tpu.core_type<sc_vector_subcore>, window_params = [{transform_indices = #map}, {transform_indices = #map1}, {transform_indices = #map}, {transform_indices = #map}, {transform_indices = #map1}]} {
    %mul3A = arith.constant 2 : i32
    %mul3A_0 = arith.muli %arg1, %mul3A : i32
    %add3A = arith.addi %mul3A_0, %arg0 : i32
    %mul3A_1 = arith.constant 640 : i32
    %mul3A_2 = arith.muli %arg1, %mul3A_1 : i32
    %mul3A_3 = arith.constant 640 : i32
    %mul3A_4 = arith.muli %arg1, %mul3A_3 : i32
    "tpu.region"() ({
      %run_scoped3A = tpu.sem_alloc : memref<!tpu.dma_semaphore, #tpu.memory_space<semaphore_mem>>
      %dma_start3A = arith.constant 0 : i32
      %dma_start3A_15 = tpu.memref_slice %arg10[%mul3A_4, %dma_start3A] : memref<10240x128xf32, #tpu.memory_space<vmem_shared>> -> memref<640x128xf32, #tpu.memory_space<vmem_shared>>
      %dma_start3A_16 = arith.constant 0 : i32
      %dma_start3A_17 = tpu.memref_slice %arg5[%mul3A_2, %dma_start3A_16] : memref<10240x128xf32, #tpu.memory_space<hbm>> -> memref<640x128xf32, #tpu.memory_space<hbm>>
      tpu.enqueue_dma source(%dma_start3A_17 : memref<640x128xf32, #tpu.memory_space<hbm>>) target(%dma_start3A_15 : memref<640x128xf32, #tpu.memory_space<vmem_shared>>) target_semaphore(%run_scoped3A : memref<!tpu.dma_semaphore, #tpu.memory_space<semaphore_mem>>)
      %dma_wait3A = arith.constant 0 : i32
      %dma_wait3A_18 = tpu.memref_slice %arg10[%mul3A_4, %dma_wait3A] : memref<10240x128xf32, #tpu.memory_space<vmem_shared>> -> memref<640x128xf32, #tpu.memory_space<vmem_shared>>
      %dma_wait3A_19 = arith.constant 0 : i32
      %dma_wait3A_20 = tpu.memref_slice %arg5[%mul3A_2, %dma_wait3A_19] : memref<10240x128xf32, #tpu.memory_space<hbm>> -> memref<640x128xf32, #tpu.memory_space<hbm>>
      tpu.wait_dma2 semaphore(%run_scoped3A : memref<!tpu.dma_semaphore, #tpu.memory_space<semaphore_mem>>) src(%dma_wait3A_20 : memref<640x128xf32, #tpu.memory_space<hbm>>) dst(%dma_wait3A_18 : memref<640x128xf32, #tpu.memory_space<vmem_shared>>)
      tpu.yield
    }) : () -> ()
    "tpu.region"() ({
      %run_scoped3A = tpu.sem_alloc : memref<!tpu.dma_semaphore, #tpu.memory_space<semaphore_mem>>
      %dma_start3A = arith.constant 0 : i32
      %dma_start3A_15 = tpu.memref_slice %arg2[%add3A, %dma_start3A] : memref<32x10240xi32, #tpu.memory_space<hbm>> -> memref<1x10240xi32, #tpu.memory_space<hbm>>
      %dma_start3A_16 = tpu.memref_squeeze %dma_start3A_15 : memref<1x10240xi32, #tpu.memory_space<hbm>> -> memref<10240xi32, #tpu.memory_space<hbm>>
      %dma_start3A_17 = arith.constant 0 : i32
      %dma_start3A_18 = tpu.memref_slice %arg2[%add3A, %dma_start3A_17] : memref<32x10240xi32, #tpu.memory_space<hbm>> -> memref<1x10240xi32, #tpu.memory_space<hbm>>
      %dma_start3A_19 = tpu.memref_squeeze %dma_start3A_18 : memref<1x10240xi32, #tpu.memory_space<hbm>> -> memref<10240xi32, #tpu.memory_space<hbm>>
      tpu.enqueue_dma source(%dma_start3A_19 : memref<10240xi32, #tpu.memory_space<hbm>>) target(%arg7 : memref<10240xi32, #tpu.memory_space<vmem>>) target_semaphore(%run_scoped3A : memref<!tpu.dma_semaphore, #tpu.memory_space<semaphore_mem>>)
      %dma_wait3A = arith.constant 0 : i32
      %dma_wait3A_20 = tpu.memref_slice %arg2[%add3A, %dma_wait3A] : memref<32x10240xi32, #tpu.memory_space<hbm>> -> memref<1x10240xi32, #tpu.memory_space<hbm>>
      %dma_wait3A_21 = tpu.memref_squeeze %dma_wait3A_20 : memref<1x10240xi32, #tpu.memory_space<hbm>> -> memref<10240xi32, #tpu.memory_space<hbm>>
      %dma_wait3A_22 = arith.constant 0 : i32
      %dma_wait3A_23 = tpu.memref_slice %arg2[%add3A, %dma_wait3A_22] : memref<32x10240xi32, #tpu.memory_space<hbm>> -> memref<1x10240xi32, #tpu.memory_space<hbm>>
      %dma_wait3A_24 = tpu.memref_squeeze %dma_wait3A_23 : memref<1x10240xi32, #tpu.memory_space<hbm>> -> memref<10240xi32, #tpu.memory_space<hbm>>
      tpu.wait_dma2 semaphore(%run_scoped3A : memref<!tpu.dma_semaphore, #tpu.memory_space<semaphore_mem>>) src(%dma_wait3A_24 : memref<10240xi32, #tpu.memory_space<hbm>>) dst(%arg7 : memref<10240xi32, #tpu.memory_space<vmem>>)
      tpu.yield
    }) : () -> ()
    "tpu.region"() ({
      %run_scoped3A = tpu.sem_alloc : memref<!tpu.dma_semaphore, #tpu.memory_space<semaphore_mem>>
      %dma_start3A = arith.constant 0 : i32
      %dma_start3A_15 = arith.constant 0 : i32
      %dma_start3A_16 = tpu.memref_slice %arg3[%add3A, %dma_start3A, %dma_start3A_15] : memref<32x80x128xi32, #tpu.memory_space<hbm>> -> memref<1x80x128xi32, #tpu.memory_space<hbm>>
      %dma_start3A_17 = tpu.memref_squeeze %dma_start3A_16 : memref<1x80x128xi32, #tpu.memory_space<hbm>> -> memref<80x128xi32, #tpu.memory_space<hbm>>
      %dma_start3A_18 = arith.constant 0 : i32
      %dma_start3A_19 = arith.constant 0 : i32
      %dma_start3A_20 = tpu.memref_slice %arg3[%add3A, %dma_start3A_18, %dma_start3A_19] : memref<32x80x128xi32, #tpu.memory_space<hbm>> -> memref<1x80x128xi32, #tpu.memory_space<hbm>>
      %dma_start3A_21 = tpu.memref_squeeze %dma_start3A_20 : memref<1x80x128xi32, #tpu.memory_space<hbm>> -> memref<80x128xi32, #tpu.memory_space<hbm>>
      tpu.enqueue_dma source(%dma_start3A_21 : memref<80x128xi32, #tpu.memory_space<hbm>>) target(%arg8 : memref<80x128xi32, #tpu.memory_space<vmem>>) target_semaphore(%run_scoped3A : memref<!tpu.dma_semaphore, #tpu.memory_space<semaphore_mem>>)
      %dma_wait3A = arith.constant 0 : i32
      %dma_wait3A_22 = arith.constant 0 : i32
      %dma_wait3A_23 = tpu.memref_slice %arg3[%add3A, %dma_wait3A, %dma_wait3A_22] : memref<32x80x128xi32, #tpu.memory_space<hbm>> -> memref<1x80x128xi32, #tpu.memory_space<hbm>>
      %dma_wait3A_24 = tpu.memref_squeeze %dma_wait3A_23 : memref<1x80x128xi32, #tpu.memory_space<hbm>> -> memref<80x128xi32, #tpu.memory_space<hbm>>
      %dma_wait3A_25 = arith.constant 0 : i32
      %dma_wait3A_26 = arith.constant 0 : i32
      %dma_wait3A_27 = tpu.memref_slice %arg3[%add3A, %dma_wait3A_25, %dma_wait3A_26] : memref<32x80x128xi32, #tpu.memory_space<hbm>> -> memref<1x80x128xi32, #tpu.memory_space<hbm>>
      %dma_wait3A_28 = tpu.memref_squeeze %dma_wait3A_27 : memref<1x80x128xi32, #tpu.memory_space<hbm>> -> memref<80x128xi32, #tpu.memory_space<hbm>>
      tpu.wait_dma2 semaphore(%run_scoped3A : memref<!tpu.dma_semaphore, #tpu.memory_space<semaphore_mem>>) src(%dma_wait3A_28 : memref<80x128xi32, #tpu.memory_space<hbm>>) dst(%arg8 : memref<80x128xi32, #tpu.memory_space<vmem>>)
      tpu.yield
    }) : () -> ()
    %barrier3A = arith.constant 0 : index
    tpu.barrier barrier_id(%barrier3A)
    %scan3A = arith.constant 0 : i32
    %scan3A_5 = arith.constant 0 : i32
    %scan3A_6 = arith.constant 80 : i32
    %scan3A_7 = arith.addi %scan3A_5, %scan3A_6 : i32
    %scan3A_8 = arith.constant 1 : i32
    scf.for %scan3A_15 = %scan3A_5 to %scan3A_7 step %scan3A_8  : i32 {
      %mul3A_16 = arith.constant 128 : i32
      %mul3A_17 = arith.muli %scan3A_15, %mul3A_16 : i32
      %multiple_of3A = tpu.assume_multiple %mul3A_17, 128 : i32
      %dma_start3A = tpu.memref_slice %arg7[%multiple_of3A] : memref<10240xi32, #tpu.memory_space<vmem>> -> memref<128xi32, #tpu.memory_space<vmem>>
      %dma_start3A_18 = arith.constant 0 : i32
      %dma_start3A_19 = arith.constant 0 : i32
      %dma_start3A_20 = tpu.memref_slice %arg4[%dma_start3A_18, %dma_start3A_19] : memref<10240x128xf32, #tpu.memory_space<hbm>> -> memref<10240x128xf32, #tpu.memory_space<hbm>>
      tpu.enqueue_indirect_dma source(%dma_start3A_20 : memref<10240x128xf32, #tpu.memory_space<hbm>>) target(%arg9 : memref<128x128xf32, #tpu.memory_space<vmem>>) offsets(%dma_start3A : memref<128xi32, #tpu.memory_space<vmem>>) semaphore(%arg11 : memref<!tpu.dma_semaphore, #tpu.memory_space<semaphore_mem>>)
      %dma_wait3A = tpu.memref_slice %arg7[%multiple_of3A] : memref<10240xi32, #tpu.memory_space<vmem>> -> memref<128xi32, #tpu.memory_space<vmem>>
      %dma_wait3A_21 = arith.constant 0 : i32
      %dma_wait3A_22 = arith.constant 0 : i32
      %dma_wait3A_23 = tpu.memref_slice %arg4[%dma_wait3A_21, %dma_wait3A_22] : memref<10240x128xf32, #tpu.memory_space<hbm>> -> memref<10240x128xf32, #tpu.memory_space<hbm>>
      tpu.wait_indirect_dma semaphore(%arg11 : memref<!tpu.dma_semaphore, #tpu.memory_space<semaphore_mem>>) src(%dma_wait3A_23 : memref<10240x128xf32, #tpu.memory_space<hbm>>) dst(%arg9 : memref<128x128xf32, #tpu.memory_space<vmem>>)
      "tpu.region"() ({
        %run_scoped3A = tpu.sem_alloc : memref<!tpu.dma_semaphore, #tpu.memory_space<semaphore_mem>>
        %dma_start3A_24 = arith.constant 0 : i32
        %dma_start3A_25 = tpu.memref_slice %arg8[%scan3A_15, %dma_start3A_24] : memref<80x128xi32, #tpu.memory_space<vmem>> -> memref<1x128xi32, #tpu.memory_space<vmem>>
        %dma_start3A_26 = tpu.memref_squeeze %dma_start3A_25 : memref<1x128xi32, #tpu.memory_space<vmem>> -> memref<128xi32, #tpu.memory_space<vmem>>
        %dma_start3A_27 = arith.constant 0 : i32
        %dma_start3A_28 = arith.constant 0 : i32
        %dma_start3A_29 = tpu.memref_slice %arg10[%dma_start3A_27, %dma_start3A_28] : memref<10240x128xf32, #tpu.memory_space<vmem_shared>> -> memref<10240x128xf32, #tpu.memory_space<vmem_shared>>
        tpu.enqueue_indirect_dma source(%arg9 : memref<128x128xf32, #tpu.memory_space<vmem>>) target(%dma_start3A_29 : memref<10240x128xf32, #tpu.memory_space<vmem_shared>>) offsets(%dma_start3A_26 : memref<128xi32, #tpu.memory_space<vmem>>) semaphore(%run_scoped3A : memref<!tpu.dma_semaphore, #tpu.memory_space<semaphore_mem>>) {add = true}
        %dma_wait3A_30 = arith.constant 0 : i32
        %dma_wait3A_31 = tpu.memref_slice %arg8[%scan3A_15, %dma_wait3A_30] : memref<80x128xi32, #tpu.memory_space<vmem>> -> memref<1x128xi32, #tpu.memory_space<vmem>>
        %dma_wait3A_32 = tpu.memref_squeeze %dma_wait3A_31 : memref<1x128xi32, #tpu.memory_space<vmem>> -> memref<128xi32, #tpu.memory_space<vmem>>
        %dma_wait3A_33 = arith.constant 0 : i32
        %dma_wait3A_34 = arith.constant 0 : i32
        %dma_wait3A_35 = tpu.memref_slice %arg10[%dma_wait3A_33, %dma_wait3A_34] : memref<10240x128xf32, #tpu.memory_space<vmem_shared>> -> memref<10240x128xf32, #tpu.memory_space<vmem_shared>>
        tpu.wait_indirect_dma semaphore(%run_scoped3A : memref<!tpu.dma_semaphore, #tpu.memory_space<semaphore_mem>>) src(%arg9 : memref<128x128xf32, #tpu.memory_space<vmem>>) dst(%dma_wait3A_35 : memref<10240x128xf32, #tpu.memory_space<vmem_shared>>)
        tpu.yield
      }) : () -> ()
    }
    %scan3A_9 = arith.constant 80 : i32
    %barrier3A_10 = arith.constant 0 : index
    tpu.barrier barrier_id(%barrier3A_10)
    %mul3A_11 = arith.constant 640 : i32
    %mul3A_12 = arith.muli %arg1, %mul3A_11 : i32
    %mul3A_13 = arith.constant 640 : i32
    %mul3A_14 = arith.muli %arg1, %mul3A_13 : i32
    "tpu.region"() ({
      %run_scoped3A = tpu.sem_alloc : memref<!tpu.dma_semaphore, #tpu.memory_space<semaphore_mem>>
      %dma_start3A = arith.constant 0 : i32
      %dma_start3A_15 = arith.constant 0 : i32
      %dma_start3A_16 = tpu.memref_slice %arg6[%arg0, %dma_start3A, %dma_start3A_15] : memref<2x10240x128xf32, #tpu.memory_space<hbm>> -> memref<1x10240x128xf32, #tpu.memory_space<hbm>>
      %dma_start3A_17 = tpu.memref_squeeze %dma_start3A_16 : memref<1x10240x128xf32, #tpu.memory_space<hbm>> -> memref<10240x128xf32, #tpu.memory_space<hbm>>
      %dma_start3A_18 = arith.constant 0 : i32
      %dma_start3A_19 = tpu.memref_slice %dma_start3A_17[%mul3A_14, %dma_start3A_18] : memref<10240x128xf32, #tpu.memory_space<hbm>> -> memref<640x128xf32, #tpu.memory_space<hbm>>
      %dma_start3A_20 = arith.constant 0 : i32
      %dma_start3A_21 = tpu.memref_slice %arg10[%mul3A_12, %dma_start3A_20] : memref<10240x128xf32, #tpu.memory_space<vmem_shared>> -> memref<640x128xf32, #tpu.memory_space<vmem_shared>>
      tpu.enqueue_dma source(%dma_start3A_21 : memref<640x128xf32, #tpu.memory_space<vmem_shared>>) target(%dma_start3A_19 : memref<640x128xf32, #tpu.memory_space<hbm>>) target_semaphore(%run_scoped3A : memref<!tpu.dma_semaphore, #tpu.memory_space<semaphore_mem>>)
      %dma_wait3A = arith.constant 0 : i32
      %dma_wait3A_22 = arith.constant 0 : i32
      %dma_wait3A_23 = tpu.memref_slice %arg6[%arg0, %dma_wait3A, %dma_wait3A_22] : memref<2x10240x128xf32, #tpu.memory_space<hbm>> -> memref<1x10240x128xf32, #tpu.memory_space<hbm>>
      %dma_wait3A_24 = tpu.memref_squeeze %dma_wait3A_23 : memref<1x10240x128xf32, #tpu.memory_space<hbm>> -> memref<10240x128xf32, #tpu.memory_space<hbm>>
      %dma_wait3A_25 = arith.constant 0 : i32
      %dma_wait3A_26 = tpu.memref_slice %dma_wait3A_24[%mul3A_14, %dma_wait3A_25] : memref<10240x128xf32, #tpu.memory_space<hbm>> -> memref<640x128xf32, #tpu.memory_space<hbm>>
      %dma_wait3A_27 = arith.constant 0 : i32
      %dma_wait3A_28 = tpu.memref_slice %arg10[%mul3A_12, %dma_wait3A_27] : memref<10240x128xf32, #tpu.memory_space<vmem_shared>> -> memref<640x128xf32, #tpu.memory_space<vmem_shared>>
      tpu.wait_dma2 semaphore(%run_scoped3A : memref<!tpu.dma_semaphore, #tpu.memory_space<semaphore_mem>>) src(%dma_wait3A_28 : memref<640x128xf32, #tpu.memory_space<vmem_shared>>) dst(%dma_wait3A_26 : memref<640x128xf32, #tpu.memory_space<hbm>>)
      tpu.yield
    }) : () -> ()
    return
  }
}

#map = affine_map<(d0, d1) -> (0, 0)>
#map1 = affine_map<(d0, d1) -> (0, 0, 0)>
module attributes {stable_mosaic.version = 14 : i64} {
  func.func @spmm(%arg0: i32, %arg1: i32, %arg2: memref<32x10240xi32, #tpu.memory_space<hbm>>, %arg3: memref<32x80x128xi32, #tpu.memory_space<hbm>>, %arg4: memref<10240x128xf32, #tpu.memory_space<hbm>>, %arg5: memref<10240x128xf32, #tpu.memory_space<hbm>>, %arg6: memref<2x10240x128xf32, #tpu.memory_space<hbm>>, %arg7: memref<10240xi32, #tpu.memory_space<vmem>>, %arg8: memref<80x128xi32, #tpu.memory_space<vmem>>, %arg9: memref<128x128xf32, #tpu.memory_space<vmem>>, %arg10: memref<10240x128xf32, #tpu.memory_space<vmem_shared>>, %arg11: memref<!tpu.dma_semaphore, #tpu.memory_space<semaphore_mem>>) attributes {dimension_semantics = [#tpu.dimension_semantics<core_parallel>, #tpu.dimension_semantics<subcore_parallel>], iteration_bounds = array<i64: 2, 16>, scalar_prefetch = 0 : i64, scratch_operands = 5 : i64, tpu.core_type = #tpu.core_type<sc_vector_subcore>, window_params = [{transform_indices = #map}, {transform_indices = #map1}, {transform_indices = #map}, {transform_indices = #map}, {transform_indices = #map1}]} {
    %mul3A = arith.constant 2 : i32
    %mul3A_0 = arith.muli %arg1, %mul3A : i32
    %add3A = arith.addi %mul3A_0, %arg0 : i32
    %mul3A_1 = arith.constant 640 : i32
    %mul3A_2 = arith.muli %arg1, %mul3A_1 : i32
    %mul3A_3 = arith.constant 640 : i32
    %mul3A_4 = arith.muli %arg1, %mul3A_3 : i32
    "tpu.region"() ({
      %run_scoped3A = tpu.sem_alloc : memref<!tpu.dma_semaphore, #tpu.memory_space<semaphore_mem>>
      %dma_start3A = arith.constant 0 : i32
      %dma_start3A_15 = tpu.memref_slice %arg10[%mul3A_4, %dma_start3A] : memref<10240x128xf32, #tpu.memory_space<vmem_shared>> -> memref<640x128xf32, #tpu.memory_space<vmem_shared>>
      %dma_start3A_16 = arith.constant 0 : i32
      %dma_start3A_17 = tpu.memref_slice %arg5[%mul3A_2, %dma_start3A_16] : memref<10240x128xf32, #tpu.memory_space<hbm>> -> memref<640x128xf32, #tpu.memory_space<hbm>>
      tpu.enqueue_dma source(%dma_start3A_17 : memref<640x128xf32, #tpu.memory_space<hbm>>) target(%dma_start3A_15 : memref<640x128xf32, #tpu.memory_space<vmem_shared>>) target_semaphore(%run_scoped3A : memref<!tpu.dma_semaphore, #tpu.memory_space<semaphore_mem>>)
      %dma_wait3A = arith.constant 0 : i32
      %dma_wait3A_18 = tpu.memref_slice %arg10[%mul3A_4, %dma_wait3A] : memref<10240x128xf32, #tpu.memory_space<vmem_shared>> -> memref<640x128xf32, #tpu.memory_space<vmem_shared>>
      %dma_wait3A_19 = arith.constant 0 : i32
      %dma_wait3A_20 = tpu.memref_slice %arg5[%mul3A_2, %dma_wait3A_19] : memref<10240x128xf32, #tpu.memory_space<hbm>> -> memref<640x128xf32, #tpu.memory_space<hbm>>
      tpu.wait_dma2 semaphore(%run_scoped3A : memref<!tpu.dma_semaphore, #tpu.memory_space<semaphore_mem>>) src(%dma_wait3A_20 : memref<640x128xf32, #tpu.memory_space<hbm>>) dst(%dma_wait3A_18 : memref<640x128xf32, #tpu.memory_space<vmem_shared>>)
      tpu.yield
    }) : () -> ()
    "tpu.region"() ({
      %run_scoped3A = tpu.sem_alloc : memref<!tpu.dma_semaphore, #tpu.memory_space<semaphore_mem>>
      %dma_start3A = arith.constant 0 : i32
      %dma_start3A_15 = tpu.memref_slice %arg2[%add3A, %dma_start3A] : memref<32x10240xi32, #tpu.memory_space<hbm>> -> memref<1x10240xi32, #tpu.memory_space<hbm>>
      %dma_start3A_16 = tpu.memref_squeeze %dma_start3A_15 : memref<1x10240xi32, #tpu.memory_space<hbm>> -> memref<10240xi32, #tpu.memory_space<hbm>>
      %dma_start3A_17 = arith.constant 0 : i32
      %dma_start3A_18 = tpu.memref_slice %arg2[%add3A, %dma_start3A_17] : memref<32x10240xi32, #tpu.memory_space<hbm>> -> memref<1x10240xi32, #tpu.memory_space<hbm>>
      %dma_start3A_19 = tpu.memref_squeeze %dma_start3A_18 : memref<1x10240xi32, #tpu.memory_space<hbm>> -> memref<10240xi32, #tpu.memory_space<hbm>>
      tpu.enqueue_dma source(%dma_start3A_19 : memref<10240xi32, #tpu.memory_space<hbm>>) target(%arg7 : memref<10240xi32, #tpu.memory_space<vmem>>) target_semaphore(%run_scoped3A : memref<!tpu.dma_semaphore, #tpu.memory_space<semaphore_mem>>)
      %dma_wait3A = arith.constant 0 : i32
      %dma_wait3A_20 = tpu.memref_slice %arg2[%add3A, %dma_wait3A] : memref<32x10240xi32, #tpu.memory_space<hbm>> -> memref<1x10240xi32, #tpu.memory_space<hbm>>
      %dma_wait3A_21 = tpu.memref_squeeze %dma_wait3A_20 : memref<1x10240xi32, #tpu.memory_space<hbm>> -> memref<10240xi32, #tpu.memory_space<hbm>>
      %dma_wait3A_22 = arith.constant 0 : i32
      %dma_wait3A_23 = tpu.memref_slice %arg2[%add3A, %dma_wait3A_22] : memref<32x10240xi32, #tpu.memory_space<hbm>> -> memref<1x10240xi32, #tpu.memory_space<hbm>>
      %dma_wait3A_24 = tpu.memref_squeeze %dma_wait3A_23 : memref<1x10240xi32, #tpu.memory_space<hbm>> -> memref<10240xi32, #tpu.memory_space<hbm>>
      tpu.wait_dma2 semaphore(%run_scoped3A : memref<!tpu.dma_semaphore, #tpu.memory_space<semaphore_mem>>) src(%dma_wait3A_24 : memref<10240xi32, #tpu.memory_space<hbm>>) dst(%arg7 : memref<10240xi32, #tpu.memory_space<vmem>>)
      tpu.yield
    }) : () -> ()
    "tpu.region"() ({
      %run_scoped3A = tpu.sem_alloc : memref<!tpu.dma_semaphore, #tpu.memory_space<semaphore_mem>>
      %dma_start3A = arith.constant 0 : i32
      %dma_start3A_15 = arith.constant 0 : i32
      %dma_start3A_16 = tpu.memref_slice %arg3[%add3A, %dma_start3A, %dma_start3A_15] : memref<32x80x128xi32, #tpu.memory_space<hbm>> -> memref<1x80x128xi32, #tpu.memory_space<hbm>>
      %dma_start3A_17 = tpu.memref_squeeze %dma_start3A_16 : memref<1x80x128xi32, #tpu.memory_space<hbm>> -> memref<80x128xi32, #tpu.memory_space<hbm>>
      %dma_start3A_18 = arith.constant 0 : i32
      %dma_start3A_19 = arith.constant 0 : i32
      %dma_start3A_20 = tpu.memref_slice %arg3[%add3A, %dma_start3A_18, %dma_start3A_19] : memref<32x80x128xi32, #tpu.memory_space<hbm>> -> memref<1x80x128xi32, #tpu.memory_space<hbm>>
      %dma_start3A_21 = tpu.memref_squeeze %dma_start3A_20 : memref<1x80x128xi32, #tpu.memory_space<hbm>> -> memref<80x128xi32, #tpu.memory_space<hbm>>
      tpu.enqueue_dma source(%dma_start3A_21 : memref<80x128xi32, #tpu.memory_space<hbm>>) target(%arg8 : memref<80x128xi32, #tpu.memory_space<vmem>>) target_semaphore(%run_scoped3A : memref<!tpu.dma_semaphore, #tpu.memory_space<semaphore_mem>>)
      %dma_wait3A = arith.constant 0 : i32
      %dma_wait3A_22 = arith.constant 0 : i32
      %dma_wait3A_23 = tpu.memref_slice %arg3[%add3A, %dma_wait3A, %dma_wait3A_22] : memref<32x80x128xi32, #tpu.memory_space<hbm>> -> memref<1x80x128xi32, #tpu.memory_space<hbm>>
      %dma_wait3A_24 = tpu.memref_squeeze %dma_wait3A_23 : memref<1x80x128xi32, #tpu.memory_space<hbm>> -> memref<80x128xi32, #tpu.memory_space<hbm>>
      %dma_wait3A_25 = arith.constant 0 : i32
      %dma_wait3A_26 = arith.constant 0 : i32
      %dma_wait3A_27 = tpu.memref_slice %arg3[%add3A, %dma_wait3A_25, %dma_wait3A_26] : memref<32x80x128xi32, #tpu.memory_space<hbm>> -> memref<1x80x128xi32, #tpu.memory_space<hbm>>
      %dma_wait3A_28 = tpu.memref_squeeze %dma_wait3A_27 : memref<1x80x128xi32, #tpu.memory_space<hbm>> -> memref<80x128xi32, #tpu.memory_space<hbm>>
      tpu.wait_dma2 semaphore(%run_scoped3A : memref<!tpu.dma_semaphore, #tpu.memory_space<semaphore_mem>>) src(%dma_wait3A_28 : memref<80x128xi32, #tpu.memory_space<hbm>>) dst(%arg8 : memref<80x128xi32, #tpu.memory_space<vmem>>)
      tpu.yield
    }) : () -> ()
    %barrier3A = arith.constant 0 : index
    tpu.barrier barrier_id(%barrier3A)
    %scan3A = arith.constant 0 : i32
    %scan3A_5 = arith.constant 0 : i32
    %scan3A_6 = arith.constant 80 : i32
    %scan3A_7 = arith.addi %scan3A_5, %scan3A_6 : i32
    %scan3A_8 = arith.constant 1 : i32
    scf.for %scan3A_15 = %scan3A_5 to %scan3A_7 step %scan3A_8  : i32 {
      %mul3A_16 = arith.constant 128 : i32
      %mul3A_17 = arith.muli %scan3A_15, %mul3A_16 : i32
      %multiple_of3A = tpu.assume_multiple %mul3A_17, 128 : i32
      %dma_start3A = tpu.memref_slice %arg7[%multiple_of3A] : memref<10240xi32, #tpu.memory_space<vmem>> -> memref<128xi32, #tpu.memory_space<vmem>>
      %dma_start3A_18 = arith.constant 0 : i32
      %dma_start3A_19 = arith.constant 0 : i32
      %dma_start3A_20 = tpu.memref_slice %arg4[%dma_start3A_18, %dma_start3A_19] : memref<10240x128xf32, #tpu.memory_space<hbm>> -> memref<10240x128xf32, #tpu.memory_space<hbm>>
      tpu.enqueue_indirect_dma source(%dma_start3A_20 : memref<10240x128xf32, #tpu.memory_space<hbm>>) target(%arg9 : memref<128x128xf32, #tpu.memory_space<vmem>>) offsets(%dma_start3A : memref<128xi32, #tpu.memory_space<vmem>>) semaphore(%arg11 : memref<!tpu.dma_semaphore, #tpu.memory_space<semaphore_mem>>)
      %dma_wait3A = tpu.memref_slice %arg7[%multiple_of3A] : memref<10240xi32, #tpu.memory_space<vmem>> -> memref<128xi32, #tpu.memory_space<vmem>>
      %dma_wait3A_21 = arith.constant 0 : i32
      %dma_wait3A_22 = arith.constant 0 : i32
      %dma_wait3A_23 = tpu.memref_slice %arg4[%dma_wait3A_21, %dma_wait3A_22] : memref<10240x128xf32, #tpu.memory_space<hbm>> -> memref<10240x128xf32, #tpu.memory_space<hbm>>
      tpu.wait_indirect_dma semaphore(%arg11 : memref<!tpu.dma_semaphore, #tpu.memory_space<semaphore_mem>>) src(%dma_wait3A_23 : memref<10240x128xf32, #tpu.memory_space<hbm>>) dst(%arg9 : memref<128x128xf32, #tpu.memory_space<vmem>>)
      "tpu.region"() ({
        %run_scoped3A = tpu.sem_alloc : memref<!tpu.dma_semaphore, #tpu.memory_space<semaphore_mem>>
        %dma_start3A_24 = arith.constant 0 : i32
        %dma_start3A_25 = tpu.memref_slice %arg8[%scan3A_15, %dma_start3A_24] : memref<80x128xi32, #tpu.memory_space<vmem>> -> memref<1x128xi32, #tpu.memory_space<vmem>>
        %dma_start3A_26 = tpu.memref_squeeze %dma_start3A_25 : memref<1x128xi32, #tpu.memory_space<vmem>> -> memref<128xi32, #tpu.memory_space<vmem>>
        %dma_start3A_27 = arith.constant 0 : i32
        %dma_start3A_28 = arith.constant 0 : i32
        %dma_start3A_29 = tpu.memref_slice %arg10[%dma_start3A_27, %dma_start3A_28] : memref<10240x128xf32, #tpu.memory_space<vmem_shared>> -> memref<10240x128xf32, #tpu.memory_space<vmem_shared>>
        tpu.enqueue_indirect_dma source(%arg9 : memref<128x128xf32, #tpu.memory_space<vmem>>) target(%dma_start3A_29 : memref<10240x128xf32, #tpu.memory_space<vmem_shared>>) offsets(%dma_start3A_26 : memref<128xi32, #tpu.memory_space<vmem>>) semaphore(%run_scoped3A : memref<!tpu.dma_semaphore, #tpu.memory_space<semaphore_mem>>) {add = true}
        %dma_wait3A_30 = arith.constant 0 : i32
        %dma_wait3A_31 = tpu.memref_slice %arg8[%scan3A_15, %dma_wait3A_30] : memref<80x128xi32, #tpu.memory_space<vmem>> -> memref<1x128xi32, #tpu.memory_space<vmem>>
        %dma_wait3A_32 = tpu.memref_squeeze %dma_wait3A_31 : memref<1x128xi32, #tpu.memory_space<vmem>> -> memref<128xi32, #tpu.memory_space<vmem>>
        %dma_wait3A_33 = arith.constant 0 : i32
        %dma_wait3A_34 = arith.constant 0 : i32
        %dma_wait3A_35 = tpu.memref_slice %arg10[%dma_wait3A_33, %dma_wait3A_34] : memref<10240x128xf32, #tpu.memory_space<vmem_shared>> -> memref<10240x128xf32, #tpu.memory_space<vmem_shared>>
        tpu.wait_indirect_dma semaphore(%run_scoped3A : memref<!tpu.dma_semaphore, #tpu.memory_space<semaphore_mem>>) src(%arg9 : memref<128x128xf32, #tpu.memory_space<vmem>>) dst(%dma_wait3A_35 : memref<10240x128xf32, #tpu.memory_space<vmem_shared>>)
        tpu.yield
      }) : () -> ()
    }
    %scan3A_9 = arith.constant 80 : i32
    %barrier3A_10 = arith.constant 0 : index
    tpu.barrier barrier_id(%barrier3A_10)
    %mul3A_11 = arith.constant 640 : i32
    %mul3A_12 = arith.muli %arg1, %mul3A_11 : i32
    %mul3A_13 = arith.constant 640 : i32
    %mul3A_14 = arith.muli %arg1, %mul3A_13 : i32
    "tpu.region"() ({
      %run_scoped3A = tpu.sem_alloc : memref<!tpu.dma_semaphore, #tpu.memory_space<semaphore_mem>>
      %dma_start3A = arith.constant 0 : i32
      %dma_start3A_15 = arith.constant 0 : i32
      %dma_start3A_16 = tpu.memref_slice %arg6[%arg0, %dma_start3A, %dma_start3A_15] : memref<2x10240x128xf32, #tpu.memory_space<hbm>> -> memref<1x10240x128xf32, #tpu.memory_space<hbm>>
      %dma_start3A_17 = tpu.memref_squeeze %dma_start3A_16 : memref<1x10240x128xf32, #tpu.memory_space<hbm>> -> memref<10240x128xf32, #tpu.memory_space<hbm>>
      %dma_start3A_18 = arith.constant 0 : i32
      %dma_start3A_19 = tpu.memref_slice %dma_start3A_17[%mul3A_14, %dma_start3A_18] : memref<10240x128xf32, #tpu.memory_space<hbm>> -> memref<640x128xf32, #tpu.memory_space<hbm>>
      %dma_start3A_20 = arith.constant 0 : i32
      %dma_start3A_21 = tpu.memref_slice %arg10[%mul3A_12, %dma_start3A_20] : memref<10240x128xf32, #tpu.memory_space<vmem_shared>> -> memref<640x128xf32, #tpu.memory_space<vmem_shared>>
      tpu.enqueue_dma source(%dma_start3A_21 : memref<640x128xf32, #tpu.memory_space<vmem_shared>>) target(%dma_start3A_19 : memref<640x128xf32, #tpu.memory_space<hbm>>) target_semaphore(%run_scoped3A : memref<!tpu.dma_semaphore, #tpu.memory_space<semaphore_mem>>)
      %dma_wait3A = arith.constant 0 : i32
      %dma_wait3A_22 = arith.constant 0 : i32
      %dma_wait3A_23 = tpu.memref_slice %arg6[%arg0, %dma_wait3A, %dma_wait3A_22] : memref<2x10240x128xf32, #tpu.memory_space<hbm>> -> memref<1x10240x128xf32, #tpu.memory_space<hbm>>
      %dma_wait3A_24 = tpu.memref_squeeze %dma_wait3A_23 : memref<1x10240x128xf32, #tpu.memory_space<hbm>> -> memref<10240x128xf32, #tpu.memory_space<hbm>>
      %dma_wait3A_25 = arith.constant 0 : i32
      %dma_wait3A_26 = tpu.memref_slice %dma_wait3A_24[%mul3A_14, %dma_wait3A_25] : memref<10240x128xf32, #tpu.memory_space<hbm>> -> memref<640x128xf32, #tpu.memory_space<hbm>>
      %dma_wait3A_27 = arith.constant 0 : i32
      %dma_wait3A_28 = tpu.memref_slice %arg10[%mul3A_12, %dma_wait3A_27] : memref<10240x128xf32, #tpu.memory_space<vmem_shared>> -> memref<640x128xf32, #tpu.memory_space<vmem_shared>>
      tpu.wait_dma2 semaphore(%run_scoped3A : memref<!tpu.dma_semaphore, #tpu.memory_space<semaphore_mem>>) src(%dma_wait3A_28 : memref<640x128xf32, #tpu.memory_space<vmem_shared>>) dst(%dma_wait3A_26 : memref<640x128xf32, #tpu.memory_space<hbm>>)
      tpu.yield
    }) : () -> ()
    return
  }
}

#map = affine_map<(d0, d1) -> (0, 0)>
#map1 = affine_map<(d0, d1) -> (0, 0, 0)>
module attributes {stable_mosaic.version = 14 : i64} {
  func.func @spmm(%arg0: i32, %arg1: i32, %arg2: memref<32x10240xi32, #tpu.memory_space<hbm>>, %arg3: memref<32x80x128xi32, #tpu.memory_space<hbm>>, %arg4: memref<10240x128xf32, #tpu.memory_space<hbm>>, %arg5: memref<10240x128xf32, #tpu.memory_space<hbm>>, %arg6: memref<2x10240x128xf32, #tpu.memory_space<hbm>>, %arg7: memref<10240xi32, #tpu.memory_space<vmem>>, %arg8: memref<80x128xi32, #tpu.memory_space<vmem>>, %arg9: memref<128x128xf32, #tpu.memory_space<vmem>>, %arg10: memref<10240x128xf32, #tpu.memory_space<vmem_shared>>, %arg11: memref<!tpu.dma_semaphore, #tpu.memory_space<semaphore_mem>>) attributes {dimension_semantics = [#tpu.dimension_semantics<core_parallel>, #tpu.dimension_semantics<subcore_parallel>], iteration_bounds = array<i64: 2, 16>, scalar_prefetch = 0 : i64, scratch_operands = 5 : i64, tpu.core_type = #tpu.core_type<sc_vector_subcore>, window_params = [{transform_indices = #map}, {transform_indices = #map1}, {transform_indices = #map}, {transform_indices = #map}, {transform_indices = #map1}]} {
    %mul3A = arith.constant 2 : i32
    %mul3A_0 = arith.muli %arg1, %mul3A : i32
    %add3A = arith.addi %mul3A_0, %arg0 : i32
    %mul3A_1 = arith.constant 640 : i32
    %mul3A_2 = arith.muli %arg1, %mul3A_1 : i32
    %mul3A_3 = arith.constant 640 : i32
    %mul3A_4 = arith.muli %arg1, %mul3A_3 : i32
    "tpu.region"() ({
      %run_scoped3A = tpu.sem_alloc : memref<!tpu.dma_semaphore, #tpu.memory_space<semaphore_mem>>
      %dma_start3A = arith.constant 0 : i32
      %dma_start3A_15 = tpu.memref_slice %arg10[%mul3A_4, %dma_start3A] : memref<10240x128xf32, #tpu.memory_space<vmem_shared>> -> memref<640x128xf32, #tpu.memory_space<vmem_shared>>
      %dma_start3A_16 = arith.constant 0 : i32
      %dma_start3A_17 = tpu.memref_slice %arg5[%mul3A_2, %dma_start3A_16] : memref<10240x128xf32, #tpu.memory_space<hbm>> -> memref<640x128xf32, #tpu.memory_space<hbm>>
      tpu.enqueue_dma source(%dma_start3A_17 : memref<640x128xf32, #tpu.memory_space<hbm>>) target(%dma_start3A_15 : memref<640x128xf32, #tpu.memory_space<vmem_shared>>) target_semaphore(%run_scoped3A : memref<!tpu.dma_semaphore, #tpu.memory_space<semaphore_mem>>)
      %dma_wait3A = arith.constant 0 : i32
      %dma_wait3A_18 = tpu.memref_slice %arg10[%mul3A_4, %dma_wait3A] : memref<10240x128xf32, #tpu.memory_space<vmem_shared>> -> memref<640x128xf32, #tpu.memory_space<vmem_shared>>
      %dma_wait3A_19 = arith.constant 0 : i32
      %dma_wait3A_20 = tpu.memref_slice %arg5[%mul3A_2, %dma_wait3A_19] : memref<10240x128xf32, #tpu.memory_space<hbm>> -> memref<640x128xf32, #tpu.memory_space<hbm>>
      tpu.wait_dma2 semaphore(%run_scoped3A : memref<!tpu.dma_semaphore, #tpu.memory_space<semaphore_mem>>) src(%dma_wait3A_20 : memref<640x128xf32, #tpu.memory_space<hbm>>) dst(%dma_wait3A_18 : memref<640x128xf32, #tpu.memory_space<vmem_shared>>)
      tpu.yield
    }) : () -> ()
    "tpu.region"() ({
      %run_scoped3A = tpu.sem_alloc : memref<!tpu.dma_semaphore, #tpu.memory_space<semaphore_mem>>
      %dma_start3A = arith.constant 0 : i32
      %dma_start3A_15 = tpu.memref_slice %arg2[%add3A, %dma_start3A] : memref<32x10240xi32, #tpu.memory_space<hbm>> -> memref<1x10240xi32, #tpu.memory_space<hbm>>
      %dma_start3A_16 = tpu.memref_squeeze %dma_start3A_15 : memref<1x10240xi32, #tpu.memory_space<hbm>> -> memref<10240xi32, #tpu.memory_space<hbm>>
      %dma_start3A_17 = arith.constant 0 : i32
      %dma_start3A_18 = tpu.memref_slice %arg2[%add3A, %dma_start3A_17] : memref<32x10240xi32, #tpu.memory_space<hbm>> -> memref<1x10240xi32, #tpu.memory_space<hbm>>
      %dma_start3A_19 = tpu.memref_squeeze %dma_start3A_18 : memref<1x10240xi32, #tpu.memory_space<hbm>> -> memref<10240xi32, #tpu.memory_space<hbm>>
      tpu.enqueue_dma source(%dma_start3A_19 : memref<10240xi32, #tpu.memory_space<hbm>>) target(%arg7 : memref<10240xi32, #tpu.memory_space<vmem>>) target_semaphore(%run_scoped3A : memref<!tpu.dma_semaphore, #tpu.memory_space<semaphore_mem>>)
      %dma_wait3A = arith.constant 0 : i32
      %dma_wait3A_20 = tpu.memref_slice %arg2[%add3A, %dma_wait3A] : memref<32x10240xi32, #tpu.memory_space<hbm>> -> memref<1x10240xi32, #tpu.memory_space<hbm>>
      %dma_wait3A_21 = tpu.memref_squeeze %dma_wait3A_20 : memref<1x10240xi32, #tpu.memory_space<hbm>> -> memref<10240xi32, #tpu.memory_space<hbm>>
      %dma_wait3A_22 = arith.constant 0 : i32
      %dma_wait3A_23 = tpu.memref_slice %arg2[%add3A, %dma_wait3A_22] : memref<32x10240xi32, #tpu.memory_space<hbm>> -> memref<1x10240xi32, #tpu.memory_space<hbm>>
      %dma_wait3A_24 = tpu.memref_squeeze %dma_wait3A_23 : memref<1x10240xi32, #tpu.memory_space<hbm>> -> memref<10240xi32, #tpu.memory_space<hbm>>
      tpu.wait_dma2 semaphore(%run_scoped3A : memref<!tpu.dma_semaphore, #tpu.memory_space<semaphore_mem>>) src(%dma_wait3A_24 : memref<10240xi32, #tpu.memory_space<hbm>>) dst(%arg7 : memref<10240xi32, #tpu.memory_space<vmem>>)
      tpu.yield
    }) : () -> ()
    "tpu.region"() ({
      %run_scoped3A = tpu.sem_alloc : memref<!tpu.dma_semaphore, #tpu.memory_space<semaphore_mem>>
      %dma_start3A = arith.constant 0 : i32
      %dma_start3A_15 = arith.constant 0 : i32
      %dma_start3A_16 = tpu.memref_slice %arg3[%add3A, %dma_start3A, %dma_start3A_15] : memref<32x80x128xi32, #tpu.memory_space<hbm>> -> memref<1x80x128xi32, #tpu.memory_space<hbm>>
      %dma_start3A_17 = tpu.memref_squeeze %dma_start3A_16 : memref<1x80x128xi32, #tpu.memory_space<hbm>> -> memref<80x128xi32, #tpu.memory_space<hbm>>
      %dma_start3A_18 = arith.constant 0 : i32
      %dma_start3A_19 = arith.constant 0 : i32
      %dma_start3A_20 = tpu.memref_slice %arg3[%add3A, %dma_start3A_18, %dma_start3A_19] : memref<32x80x128xi32, #tpu.memory_space<hbm>> -> memref<1x80x128xi32, #tpu.memory_space<hbm>>
      %dma_start3A_21 = tpu.memref_squeeze %dma_start3A_20 : memref<1x80x128xi32, #tpu.memory_space<hbm>> -> memref<80x128xi32, #tpu.memory_space<hbm>>
      tpu.enqueue_dma source(%dma_start3A_21 : memref<80x128xi32, #tpu.memory_space<hbm>>) target(%arg8 : memref<80x128xi32, #tpu.memory_space<vmem>>) target_semaphore(%run_scoped3A : memref<!tpu.dma_semaphore, #tpu.memory_space<semaphore_mem>>)
      %dma_wait3A = arith.constant 0 : i32
      %dma_wait3A_22 = arith.constant 0 : i32
      %dma_wait3A_23 = tpu.memref_slice %arg3[%add3A, %dma_wait3A, %dma_wait3A_22] : memref<32x80x128xi32, #tpu.memory_space<hbm>> -> memref<1x80x128xi32, #tpu.memory_space<hbm>>
      %dma_wait3A_24 = tpu.memref_squeeze %dma_wait3A_23 : memref<1x80x128xi32, #tpu.memory_space<hbm>> -> memref<80x128xi32, #tpu.memory_space<hbm>>
      %dma_wait3A_25 = arith.constant 0 : i32
      %dma_wait3A_26 = arith.constant 0 : i32
      %dma_wait3A_27 = tpu.memref_slice %arg3[%add3A, %dma_wait3A_25, %dma_wait3A_26] : memref<32x80x128xi32, #tpu.memory_space<hbm>> -> memref<1x80x128xi32, #tpu.memory_space<hbm>>
      %dma_wait3A_28 = tpu.memref_squeeze %dma_wait3A_27 : memref<1x80x128xi32, #tpu.memory_space<hbm>> -> memref<80x128xi32, #tpu.memory_space<hbm>>
      tpu.wait_dma2 semaphore(%run_scoped3A : memref<!tpu.dma_semaphore, #tpu.memory_space<semaphore_mem>>) src(%dma_wait3A_28 : memref<80x128xi32, #tpu.memory_space<hbm>>) dst(%arg8 : memref<80x128xi32, #tpu.memory_space<vmem>>)
      tpu.yield
    }) : () -> ()
    %barrier3A = arith.constant 0 : index
    tpu.barrier barrier_id(%barrier3A)
    %scan3A = arith.constant 0 : i32
    %scan3A_5 = arith.constant 0 : i32
    %scan3A_6 = arith.constant 80 : i32
    %scan3A_7 = arith.addi %scan3A_5, %scan3A_6 : i32
    %scan3A_8 = arith.constant 1 : i32
    scf.for %scan3A_15 = %scan3A_5 to %scan3A_7 step %scan3A_8  : i32 {
      %mul3A_16 = arith.constant 128 : i32
      %mul3A_17 = arith.muli %scan3A_15, %mul3A_16 : i32
      %multiple_of3A = tpu.assume_multiple %mul3A_17, 128 : i32
      %dma_start3A = tpu.memref_slice %arg7[%multiple_of3A] : memref<10240xi32, #tpu.memory_space<vmem>> -> memref<128xi32, #tpu.memory_space<vmem>>
      %dma_start3A_18 = arith.constant 0 : i32
      %dma_start3A_19 = arith.constant 0 : i32
      %dma_start3A_20 = tpu.memref_slice %arg4[%dma_start3A_18, %dma_start3A_19] : memref<10240x128xf32, #tpu.memory_space<hbm>> -> memref<10240x128xf32, #tpu.memory_space<hbm>>
      tpu.enqueue_indirect_dma source(%dma_start3A_20 : memref<10240x128xf32, #tpu.memory_space<hbm>>) target(%arg9 : memref<128x128xf32, #tpu.memory_space<vmem>>) offsets(%dma_start3A : memref<128xi32, #tpu.memory_space<vmem>>) semaphore(%arg11 : memref<!tpu.dma_semaphore, #tpu.memory_space<semaphore_mem>>)
      %dma_wait3A = tpu.memref_slice %arg7[%multiple_of3A] : memref<10240xi32, #tpu.memory_space<vmem>> -> memref<128xi32, #tpu.memory_space<vmem>>
      %dma_wait3A_21 = arith.constant 0 : i32
      %dma_wait3A_22 = arith.constant 0 : i32
      %dma_wait3A_23 = tpu.memref_slice %arg4[%dma_wait3A_21, %dma_wait3A_22] : memref<10240x128xf32, #tpu.memory_space<hbm>> -> memref<10240x128xf32, #tpu.memory_space<hbm>>
      tpu.wait_indirect_dma semaphore(%arg11 : memref<!tpu.dma_semaphore, #tpu.memory_space<semaphore_mem>>) src(%dma_wait3A_23 : memref<10240x128xf32, #tpu.memory_space<hbm>>) dst(%arg9 : memref<128x128xf32, #tpu.memory_space<vmem>>)
      "tpu.region"() ({
        %run_scoped3A = tpu.sem_alloc : memref<!tpu.dma_semaphore, #tpu.memory_space<semaphore_mem>>
        %dma_start3A_24 = arith.constant 0 : i32
        %dma_start3A_25 = tpu.memref_slice %arg8[%scan3A_15, %dma_start3A_24] : memref<80x128xi32, #tpu.memory_space<vmem>> -> memref<1x128xi32, #tpu.memory_space<vmem>>
        %dma_start3A_26 = tpu.memref_squeeze %dma_start3A_25 : memref<1x128xi32, #tpu.memory_space<vmem>> -> memref<128xi32, #tpu.memory_space<vmem>>
        %dma_start3A_27 = arith.constant 0 : i32
        %dma_start3A_28 = arith.constant 0 : i32
        %dma_start3A_29 = tpu.memref_slice %arg10[%dma_start3A_27, %dma_start3A_28] : memref<10240x128xf32, #tpu.memory_space<vmem_shared>> -> memref<10240x128xf32, #tpu.memory_space<vmem_shared>>
        tpu.enqueue_indirect_dma source(%arg9 : memref<128x128xf32, #tpu.memory_space<vmem>>) target(%dma_start3A_29 : memref<10240x128xf32, #tpu.memory_space<vmem_shared>>) offsets(%dma_start3A_26 : memref<128xi32, #tpu.memory_space<vmem>>) semaphore(%run_scoped3A : memref<!tpu.dma_semaphore, #tpu.memory_space<semaphore_mem>>) {add = true}
        %dma_wait3A_30 = arith.constant 0 : i32
        %dma_wait3A_31 = tpu.memref_slice %arg8[%scan3A_15, %dma_wait3A_30] : memref<80x128xi32, #tpu.memory_space<vmem>> -> memref<1x128xi32, #tpu.memory_space<vmem>>
        %dma_wait3A_32 = tpu.memref_squeeze %dma_wait3A_31 : memref<1x128xi32, #tpu.memory_space<vmem>> -> memref<128xi32, #tpu.memory_space<vmem>>
        %dma_wait3A_33 = arith.constant 0 : i32
        %dma_wait3A_34 = arith.constant 0 : i32
        %dma_wait3A_35 = tpu.memref_slice %arg10[%dma_wait3A_33, %dma_wait3A_34] : memref<10240x128xf32, #tpu.memory_space<vmem_shared>> -> memref<10240x128xf32, #tpu.memory_space<vmem_shared>>
        tpu.wait_indirect_dma semaphore(%run_scoped3A : memref<!tpu.dma_semaphore, #tpu.memory_space<semaphore_mem>>) src(%arg9 : memref<128x128xf32, #tpu.memory_space<vmem>>) dst(%dma_wait3A_35 : memref<10240x128xf32, #tpu.memory_space<vmem_shared>>)
        tpu.yield
      }) : () -> ()
    }
    %scan3A_9 = arith.constant 80 : i32
    %barrier3A_10 = arith.constant 0 : index
    tpu.barrier barrier_id(%barrier3A_10)
    %mul3A_11 = arith.constant 640 : i32
    %mul3A_12 = arith.muli %arg1, %mul3A_11 : i32
    %mul3A_13 = arith.constant 640 : i32
    %mul3A_14 = arith.muli %arg1, %mul3A_13 : i32
    "tpu.region"() ({
      %run_scoped3A = tpu.sem_alloc : memref<!tpu.dma_semaphore, #tpu.memory_space<semaphore_mem>>
      %dma_start3A = arith.constant 0 : i32
      %dma_start3A_15 = arith.constant 0 : i32
      %dma_start3A_16 = tpu.memref_slice %arg6[%arg0, %dma_start3A, %dma_start3A_15] : memref<2x10240x128xf32, #tpu.memory_space<hbm>> -> memref<1x10240x128xf32, #tpu.memory_space<hbm>>
      %dma_start3A_17 = tpu.memref_squeeze %dma_start3A_16 : memref<1x10240x128xf32, #tpu.memory_space<hbm>> -> memref<10240x128xf32, #tpu.memory_space<hbm>>
      %dma_start3A_18 = arith.constant 0 : i32
      %dma_start3A_19 = tpu.memref_slice %dma_start3A_17[%mul3A_14, %dma_start3A_18] : memref<10240x128xf32, #tpu.memory_space<hbm>> -> memref<640x128xf32, #tpu.memory_space<hbm>>
      %dma_start3A_20 = arith.constant 0 : i32
      %dma_start3A_21 = tpu.memref_slice %arg10[%mul3A_12, %dma_start3A_20] : memref<10240x128xf32, #tpu.memory_space<vmem_shared>> -> memref<640x128xf32, #tpu.memory_space<vmem_shared>>
      tpu.enqueue_dma source(%dma_start3A_21 : memref<640x128xf32, #tpu.memory_space<vmem_shared>>) target(%dma_start3A_19 : memref<640x128xf32, #tpu.memory_space<hbm>>) target_semaphore(%run_scoped3A : memref<!tpu.dma_semaphore, #tpu.memory_space<semaphore_mem>>)
      %dma_wait3A = arith.constant 0 : i32
      %dma_wait3A_22 = arith.constant 0 : i32
      %dma_wait3A_23 = tpu.memref_slice %arg6[%arg0, %dma_wait3A, %dma_wait3A_22] : memref<2x10240x128xf32, #tpu.memory_space<hbm>> -> memref<1x10240x128xf32, #tpu.memory_space<hbm>>
      %dma_wait3A_24 = tpu.memref_squeeze %dma_wait3A_23 : memref<1x10240x128xf32, #tpu.memory_space<hbm>> -> memref<10240x128xf32, #tpu.memory_space<hbm>>
      %dma_wait3A_25 = arith.constant 0 : i32
      %dma_wait3A_26 = tpu.memref_slice %dma_wait3A_24[%mul3A_14, %dma_wait3A_25] : memref<10240x128xf32, #tpu.memory_space<hbm>> -> memref<640x128xf32, #tpu.memory_space<hbm>>
      %dma_wait3A_27 = arith.constant 0 : i32
      %dma_wait3A_28 = tpu.memref_slice %arg10[%mul3A_12, %dma_wait3A_27] : memref<10240x128xf32, #tpu.memory_space<vmem_shared>> -> memref<640x128xf32, #tpu.memory_space<vmem_shared>>
      tpu.wait_dma2 semaphore(%run_scoped3A : memref<!tpu.dma_semaphore, #tpu.memory_space<semaphore_mem>>) src(%dma_wait3A_28 : memref<640x128xf32, #tpu.memory_space<vmem_shared>>) dst(%dma_wait3A_26 : memref<640x128xf32, #tpu.memory_space<hbm>>)
      tpu.yield
    }) : () -> ()
    return
  }
}

#map = affine_map<(d0, d1) -> (0, 0)>
#map1 = affine_map<(d0, d1) -> (0, 0, 0)>
module attributes {stable_mosaic.version = 14 : i64} {
  func.func @spmm(%arg0: i32, %arg1: i32, %arg2: memref<32x10240xi32, #tpu.memory_space<hbm>>, %arg3: memref<32x80x128xi32, #tpu.memory_space<hbm>>, %arg4: memref<10240x128xf32, #tpu.memory_space<hbm>>, %arg5: memref<10240x128xf32, #tpu.memory_space<hbm>>, %arg6: memref<2x10240x128xf32, #tpu.memory_space<hbm>>, %arg7: memref<10240xi32, #tpu.memory_space<vmem>>, %arg8: memref<80x128xi32, #tpu.memory_space<vmem>>, %arg9: memref<128x128xf32, #tpu.memory_space<vmem>>, %arg10: memref<10240x128xf32, #tpu.memory_space<vmem_shared>>, %arg11: memref<!tpu.dma_semaphore, #tpu.memory_space<semaphore_mem>>) attributes {dimension_semantics = [#tpu.dimension_semantics<core_parallel>, #tpu.dimension_semantics<subcore_parallel>], iteration_bounds = array<i64: 2, 16>, scalar_prefetch = 0 : i64, scratch_operands = 5 : i64, tpu.core_type = #tpu.core_type<sc_vector_subcore>, window_params = [{transform_indices = #map}, {transform_indices = #map1}, {transform_indices = #map}, {transform_indices = #map}, {transform_indices = #map1}]} {
    %mul3A = arith.constant 2 : i32
    %mul3A_0 = arith.muli %arg1, %mul3A : i32
    %add3A = arith.addi %mul3A_0, %arg0 : i32
    %mul3A_1 = arith.constant 640 : i32
    %mul3A_2 = arith.muli %arg1, %mul3A_1 : i32
    %mul3A_3 = arith.constant 640 : i32
    %mul3A_4 = arith.muli %arg1, %mul3A_3 : i32
    "tpu.region"() ({
      %run_scoped3A = tpu.sem_alloc : memref<!tpu.dma_semaphore, #tpu.memory_space<semaphore_mem>>
      %dma_start3A = arith.constant 0 : i32
      %dma_start3A_15 = tpu.memref_slice %arg10[%mul3A_4, %dma_start3A] : memref<10240x128xf32, #tpu.memory_space<vmem_shared>> -> memref<640x128xf32, #tpu.memory_space<vmem_shared>>
      %dma_start3A_16 = arith.constant 0 : i32
      %dma_start3A_17 = tpu.memref_slice %arg5[%mul3A_2, %dma_start3A_16] : memref<10240x128xf32, #tpu.memory_space<hbm>> -> memref<640x128xf32, #tpu.memory_space<hbm>>
      tpu.enqueue_dma source(%dma_start3A_17 : memref<640x128xf32, #tpu.memory_space<hbm>>) target(%dma_start3A_15 : memref<640x128xf32, #tpu.memory_space<vmem_shared>>) target_semaphore(%run_scoped3A : memref<!tpu.dma_semaphore, #tpu.memory_space<semaphore_mem>>)
      %dma_wait3A = arith.constant 0 : i32
      %dma_wait3A_18 = tpu.memref_slice %arg10[%mul3A_4, %dma_wait3A] : memref<10240x128xf32, #tpu.memory_space<vmem_shared>> -> memref<640x128xf32, #tpu.memory_space<vmem_shared>>
      %dma_wait3A_19 = arith.constant 0 : i32
      %dma_wait3A_20 = tpu.memref_slice %arg5[%mul3A_2, %dma_wait3A_19] : memref<10240x128xf32, #tpu.memory_space<hbm>> -> memref<640x128xf32, #tpu.memory_space<hbm>>
      tpu.wait_dma2 semaphore(%run_scoped3A : memref<!tpu.dma_semaphore, #tpu.memory_space<semaphore_mem>>) src(%dma_wait3A_20 : memref<640x128xf32, #tpu.memory_space<hbm>>) dst(%dma_wait3A_18 : memref<640x128xf32, #tpu.memory_space<vmem_shared>>)
      tpu.yield
    }) : () -> ()
    "tpu.region"() ({
      %run_scoped3A = tpu.sem_alloc : memref<!tpu.dma_semaphore, #tpu.memory_space<semaphore_mem>>
      %dma_start3A = arith.constant 0 : i32
      %dma_start3A_15 = tpu.memref_slice %arg2[%add3A, %dma_start3A] : memref<32x10240xi32, #tpu.memory_space<hbm>> -> memref<1x10240xi32, #tpu.memory_space<hbm>>
      %dma_start3A_16 = tpu.memref_squeeze %dma_start3A_15 : memref<1x10240xi32, #tpu.memory_space<hbm>> -> memref<10240xi32, #tpu.memory_space<hbm>>
      %dma_start3A_17 = arith.constant 0 : i32
      %dma_start3A_18 = tpu.memref_slice %arg2[%add3A, %dma_start3A_17] : memref<32x10240xi32, #tpu.memory_space<hbm>> -> memref<1x10240xi32, #tpu.memory_space<hbm>>
      %dma_start3A_19 = tpu.memref_squeeze %dma_start3A_18 : memref<1x10240xi32, #tpu.memory_space<hbm>> -> memref<10240xi32, #tpu.memory_space<hbm>>
      tpu.enqueue_dma source(%dma_start3A_19 : memref<10240xi32, #tpu.memory_space<hbm>>) target(%arg7 : memref<10240xi32, #tpu.memory_space<vmem>>) target_semaphore(%run_scoped3A : memref<!tpu.dma_semaphore, #tpu.memory_space<semaphore_mem>>)
      %dma_wait3A = arith.constant 0 : i32
      %dma_wait3A_20 = tpu.memref_slice %arg2[%add3A, %dma_wait3A] : memref<32x10240xi32, #tpu.memory_space<hbm>> -> memref<1x10240xi32, #tpu.memory_space<hbm>>
      %dma_wait3A_21 = tpu.memref_squeeze %dma_wait3A_20 : memref<1x10240xi32, #tpu.memory_space<hbm>> -> memref<10240xi32, #tpu.memory_space<hbm>>
      %dma_wait3A_22 = arith.constant 0 : i32
      %dma_wait3A_23 = tpu.memref_slice %arg2[%add3A, %dma_wait3A_22] : memref<32x10240xi32, #tpu.memory_space<hbm>> -> memref<1x10240xi32, #tpu.memory_space<hbm>>
      %dma_wait3A_24 = tpu.memref_squeeze %dma_wait3A_23 : memref<1x10240xi32, #tpu.memory_space<hbm>> -> memref<10240xi32, #tpu.memory_space<hbm>>
      tpu.wait_dma2 semaphore(%run_scoped3A : memref<!tpu.dma_semaphore, #tpu.memory_space<semaphore_mem>>) src(%dma_wait3A_24 : memref<10240xi32, #tpu.memory_space<hbm>>) dst(%arg7 : memref<10240xi32, #tpu.memory_space<vmem>>)
      tpu.yield
    }) : () -> ()
    "tpu.region"() ({
      %run_scoped3A = tpu.sem_alloc : memref<!tpu.dma_semaphore, #tpu.memory_space<semaphore_mem>>
      %dma_start3A = arith.constant 0 : i32
      %dma_start3A_15 = arith.constant 0 : i32
      %dma_start3A_16 = tpu.memref_slice %arg3[%add3A, %dma_start3A, %dma_start3A_15] : memref<32x80x128xi32, #tpu.memory_space<hbm>> -> memref<1x80x128xi32, #tpu.memory_space<hbm>>
      %dma_start3A_17 = tpu.memref_squeeze %dma_start3A_16 : memref<1x80x128xi32, #tpu.memory_space<hbm>> -> memref<80x128xi32, #tpu.memory_space<hbm>>
      %dma_start3A_18 = arith.constant 0 : i32
      %dma_start3A_19 = arith.constant 0 : i32
      %dma_start3A_20 = tpu.memref_slice %arg3[%add3A, %dma_start3A_18, %dma_start3A_19] : memref<32x80x128xi32, #tpu.memory_space<hbm>> -> memref<1x80x128xi32, #tpu.memory_space<hbm>>
      %dma_start3A_21 = tpu.memref_squeeze %dma_start3A_20 : memref<1x80x128xi32, #tpu.memory_space<hbm>> -> memref<80x128xi32, #tpu.memory_space<hbm>>
      tpu.enqueue_dma source(%dma_start3A_21 : memref<80x128xi32, #tpu.memory_space<hbm>>) target(%arg8 : memref<80x128xi32, #tpu.memory_space<vmem>>) target_semaphore(%run_scoped3A : memref<!tpu.dma_semaphore, #tpu.memory_space<semaphore_mem>>)
      %dma_wait3A = arith.constant 0 : i32
      %dma_wait3A_22 = arith.constant 0 : i32
      %dma_wait3A_23 = tpu.memref_slice %arg3[%add3A, %dma_wait3A, %dma_wait3A_22] : memref<32x80x128xi32, #tpu.memory_space<hbm>> -> memref<1x80x128xi32, #tpu.memory_space<hbm>>
      %dma_wait3A_24 = tpu.memref_squeeze %dma_wait3A_23 : memref<1x80x128xi32, #tpu.memory_space<hbm>> -> memref<80x128xi32, #tpu.memory_space<hbm>>
      %dma_wait3A_25 = arith.constant 0 : i32
      %dma_wait3A_26 = arith.constant 0 : i32
      %dma_wait3A_27 = tpu.memref_slice %arg3[%add3A, %dma_wait3A_25, %dma_wait3A_26] : memref<32x80x128xi32, #tpu.memory_space<hbm>> -> memref<1x80x128xi32, #tpu.memory_space<hbm>>
      %dma_wait3A_28 = tpu.memref_squeeze %dma_wait3A_27 : memref<1x80x128xi32, #tpu.memory_space<hbm>> -> memref<80x128xi32, #tpu.memory_space<hbm>>
      tpu.wait_dma2 semaphore(%run_scoped3A : memref<!tpu.dma_semaphore, #tpu.memory_space<semaphore_mem>>) src(%dma_wait3A_28 : memref<80x128xi32, #tpu.memory_space<hbm>>) dst(%arg8 : memref<80x128xi32, #tpu.memory_space<vmem>>)
      tpu.yield
    }) : () -> ()
    %barrier3A = arith.constant 0 : index
    tpu.barrier barrier_id(%barrier3A)
    %scan3A = arith.constant 0 : i32
    %scan3A_5 = arith.constant 0 : i32
    %scan3A_6 = arith.constant 80 : i32
    %scan3A_7 = arith.addi %scan3A_5, %scan3A_6 : i32
    %scan3A_8 = arith.constant 1 : i32
    scf.for %scan3A_15 = %scan3A_5 to %scan3A_7 step %scan3A_8  : i32 {
      %mul3A_16 = arith.constant 128 : i32
      %mul3A_17 = arith.muli %scan3A_15, %mul3A_16 : i32
      %multiple_of3A = tpu.assume_multiple %mul3A_17, 128 : i32
      %dma_start3A = tpu.memref_slice %arg7[%multiple_of3A] : memref<10240xi32, #tpu.memory_space<vmem>> -> memref<128xi32, #tpu.memory_space<vmem>>
      %dma_start3A_18 = arith.constant 0 : i32
      %dma_start3A_19 = arith.constant 0 : i32
      %dma_start3A_20 = tpu.memref_slice %arg4[%dma_start3A_18, %dma_start3A_19] : memref<10240x128xf32, #tpu.memory_space<hbm>> -> memref<10240x128xf32, #tpu.memory_space<hbm>>
      tpu.enqueue_indirect_dma source(%dma_start3A_20 : memref<10240x128xf32, #tpu.memory_space<hbm>>) target(%arg9 : memref<128x128xf32, #tpu.memory_space<vmem>>) offsets(%dma_start3A : memref<128xi32, #tpu.memory_space<vmem>>) semaphore(%arg11 : memref<!tpu.dma_semaphore, #tpu.memory_space<semaphore_mem>>)
      %dma_wait3A = tpu.memref_slice %arg7[%multiple_of3A] : memref<10240xi32, #tpu.memory_space<vmem>> -> memref<128xi32, #tpu.memory_space<vmem>>
      %dma_wait3A_21 = arith.constant 0 : i32
      %dma_wait3A_22 = arith.constant 0 : i32
      %dma_wait3A_23 = tpu.memref_slice %arg4[%dma_wait3A_21, %dma_wait3A_22] : memref<10240x128xf32, #tpu.memory_space<hbm>> -> memref<10240x128xf32, #tpu.memory_space<hbm>>
      tpu.wait_indirect_dma semaphore(%arg11 : memref<!tpu.dma_semaphore, #tpu.memory_space<semaphore_mem>>) src(%dma_wait3A_23 : memref<10240x128xf32, #tpu.memory_space<hbm>>) dst(%arg9 : memref<128x128xf32, #tpu.memory_space<vmem>>)
      "tpu.region"() ({
        %run_scoped3A = tpu.sem_alloc : memref<!tpu.dma_semaphore, #tpu.memory_space<semaphore_mem>>
        %dma_start3A_24 = arith.constant 0 : i32
        %dma_start3A_25 = tpu.memref_slice %arg8[%scan3A_15, %dma_start3A_24] : memref<80x128xi32, #tpu.memory_space<vmem>> -> memref<1x128xi32, #tpu.memory_space<vmem>>
        %dma_start3A_26 = tpu.memref_squeeze %dma_start3A_25 : memref<1x128xi32, #tpu.memory_space<vmem>> -> memref<128xi32, #tpu.memory_space<vmem>>
        %dma_start3A_27 = arith.constant 0 : i32
        %dma_start3A_28 = arith.constant 0 : i32
        %dma_start3A_29 = tpu.memref_slice %arg10[%dma_start3A_27, %dma_start3A_28] : memref<10240x128xf32, #tpu.memory_space<vmem_shared>> -> memref<10240x128xf32, #tpu.memory_space<vmem_shared>>
        tpu.enqueue_indirect_dma source(%arg9 : memref<128x128xf32, #tpu.memory_space<vmem>>) target(%dma_start3A_29 : memref<10240x128xf32, #tpu.memory_space<vmem_shared>>) offsets(%dma_start3A_26 : memref<128xi32, #tpu.memory_space<vmem>>) semaphore(%run_scoped3A : memref<!tpu.dma_semaphore, #tpu.memory_space<semaphore_mem>>) {add = true}
        %dma_wait3A_30 = arith.constant 0 : i32
        %dma_wait3A_31 = tpu.memref_slice %arg8[%scan3A_15, %dma_wait3A_30] : memref<80x128xi32, #tpu.memory_space<vmem>> -> memref<1x128xi32, #tpu.memory_space<vmem>>
        %dma_wait3A_32 = tpu.memref_squeeze %dma_wait3A_31 : memref<1x128xi32, #tpu.memory_space<vmem>> -> memref<128xi32, #tpu.memory_space<vmem>>
        %dma_wait3A_33 = arith.constant 0 : i32
        %dma_wait3A_34 = arith.constant 0 : i32
        %dma_wait3A_35 = tpu.memref_slice %arg10[%dma_wait3A_33, %dma_wait3A_34] : memref<10240x128xf32, #tpu.memory_space<vmem_shared>> -> memref<10240x128xf32, #tpu.memory_space<vmem_shared>>
        tpu.wait_indirect_dma semaphore(%run_scoped3A : memref<!tpu.dma_semaphore, #tpu.memory_space<semaphore_mem>>) src(%arg9 : memref<128x128xf32, #tpu.memory_space<vmem>>) dst(%dma_wait3A_35 : memref<10240x128xf32, #tpu.memory_space<vmem_shared>>)
        tpu.yield
      }) : () -> ()
    }
    %scan3A_9 = arith.constant 80 : i32
    %barrier3A_10 = arith.constant 0 : index
    tpu.barrier barrier_id(%barrier3A_10)
    %mul3A_11 = arith.constant 640 : i32
    %mul3A_12 = arith.muli %arg1, %mul3A_11 : i32
    %mul3A_13 = arith.constant 640 : i32
    %mul3A_14 = arith.muli %arg1, %mul3A_13 : i32
    "tpu.region"() ({
      %run_scoped3A = tpu.sem_alloc : memref<!tpu.dma_semaphore, #tpu.memory_space<semaphore_mem>>
      %dma_start3A = arith.constant 0 : i32
      %dma_start3A_15 = arith.constant 0 : i32
      %dma_start3A_16 = tpu.memref_slice %arg6[%arg0, %dma_start3A, %dma_start3A_15] : memref<2x10240x128xf32, #tpu.memory_space<hbm>> -> memref<1x10240x128xf32, #tpu.memory_space<hbm>>
      %dma_start3A_17 = tpu.memref_squeeze %dma_start3A_16 : memref<1x10240x128xf32, #tpu.memory_space<hbm>> -> memref<10240x128xf32, #tpu.memory_space<hbm>>
      %dma_start3A_18 = arith.constant 0 : i32
      %dma_start3A_19 = tpu.memref_slice %dma_start3A_17[%mul3A_14, %dma_start3A_18] : memref<10240x128xf32, #tpu.memory_space<hbm>> -> memref<640x128xf32, #tpu.memory_space<hbm>>
      %dma_start3A_20 = arith.constant 0 : i32
      %dma_start3A_21 = tpu.memref_slice %arg10[%mul3A_12, %dma_start3A_20] : memref<10240x128xf32, #tpu.memory_space<vmem_shared>> -> memref<640x128xf32, #tpu.memory_space<vmem_shared>>
      tpu.enqueue_dma source(%dma_start3A_21 : memref<640x128xf32, #tpu.memory_space<vmem_shared>>) target(%dma_start3A_19 : memref<640x128xf32, #tpu.memory_space<hbm>>) target_semaphore(%run_scoped3A : memref<!tpu.dma_semaphore, #tpu.memory_space<semaphore_mem>>)
      %dma_wait3A = arith.constant 0 : i32
      %dma_wait3A_22 = arith.constant 0 : i32
      %dma_wait3A_23 = tpu.memref_slice %arg6[%arg0, %dma_wait3A, %dma_wait3A_22] : memref<2x10240x128xf32, #tpu.memory_space<hbm>> -> memref<1x10240x128xf32, #tpu.memory_space<hbm>>
      %dma_wait3A_24 = tpu.memref_squeeze %dma_wait3A_23 : memref<1x10240x128xf32, #tpu.memory_space<hbm>> -> memref<10240x128xf32, #tpu.memory_space<hbm>>
      %dma_wait3A_25 = arith.constant 0 : i32
      %dma_wait3A_26 = tpu.memref_slice %dma_wait3A_24[%mul3A_14, %dma_wait3A_25] : memref<10240x128xf32, #tpu.memory_space<hbm>> -> memref<640x128xf32, #tpu.memory_space<hbm>>
      %dma_wait3A_27 = arith.constant 0 : i32
      %dma_wait3A_28 = tpu.memref_slice %arg10[%mul3A_12, %dma_wait3A_27] : memref<10240x128xf32, #tpu.memory_space<vmem_shared>> -> memref<640x128xf32, #tpu.memory_space<vmem_shared>>
      tpu.wait_dma2 semaphore(%run_scoped3A : memref<!tpu.dma_semaphore, #tpu.memory_space<semaphore_mem>>) src(%dma_wait3A_28 : memref<640x128xf32, #tpu.memory_space<vmem_shared>>) dst(%dma_wait3A_26 : memref<640x128xf32, #tpu.memory_space<hbm>>)
      tpu.yield
    }) : () -> ()
    return
  }
}

module attributes {stable_mosaic.version = 14 : i64} {
  func.func @_matmul_body(%arg0: i32, %arg1: memref<1024x8xf32, #tpu.memory_space<vmem>>, %arg2: memref<8x128xf32, #tpu.memory_space<vmem>>, %arg3: memref<1024x128xf32, #tpu.memory_space<vmem>>) attributes {dimension_semantics = [#tpu.dimension_semantics<arbitrary>], iteration_bounds = array<i64: 10>, scalar_prefetch = 0 : i64, scratch_operands = 0 : i64, tpu.core_type = #tpu.core_type<tc>, window_params = [{transform_indices = @transform_0, window_bounds = array<i64: 1024, 8>}, {pipeline_mode = #tpu.pipeline_mode<synchronous>, transform_indices = @transform_1, window_bounds = array<i64: 8, 128>}, {transform_indices = @transform_2, window_bounds = array<i64: 1024, 128>}]} {
    %get3A = arith.constant 0 : index
    %get3A_0 = arith.constant 0 : index
    %get3A_1 = vector.load %arg1[%get3A, %get3A_0] : memref<1024x8xf32, #tpu.memory_space<vmem>>, vector<1024x8xf32>
    %get3A_2 = arith.constant 0 : index
    %get3A_3 = arith.constant 0 : index
    %get3A_4 = vector.load %arg2[%get3A_2, %get3A_3] : memref<8x128xf32, #tpu.memory_space<vmem>>, vector<8x128xf32>
    %convert_element_type3A = arith.truncf %get3A_1 : vector<1024x8xf32> to vector<1024x8xbf16>
    %convert_element_type3A_5 = arith.truncf %get3A_4 : vector<8x128xf32> to vector<8x128xbf16>
    %dot_general3A = arith.constant dense<0.000000e+00> : vector<1024x128xf32>
    %dot_general3A_6 = tpu.matmul %convert_element_type3A, %convert_element_type3A_5, %dot_general3A {dimension_numbers = #tpu.dot_dimension_numbers<[1], [0], [0], [1], [0, 0, 1, 1], [], []>, transpose_lhs_hint = false} : vector<1024x8xbf16>, vector<8x128xbf16>, vector<1024x128xf32> -> vector<1024x128xf32>
    %swap3A = arith.constant 0 : index
    %swap3A_7 = arith.constant 0 : index
    %swap3A_8 = vector.load %arg3[%swap3A, %swap3A_7] : memref<1024x128xf32, #tpu.memory_space<vmem>>, vector<1024x128xf32>
    tpu.vector_store %arg3[%swap3A, %swap3A_7], %dot_general3A_6 {strides = array<i32>} : memref<1024x128xf32, #tpu.memory_space<vmem>>, vector<1024x128xf32>,
    return
  }
  func.func @transform_0(%arg0: i32) -> (i32, i32) {
    %c0_i32 = arith.constant 0 : i32
    %c0_i32_0 = arith.constant 0 : i32
    return %arg0, %c0_i32 : i32, i32
  }
  func.func @transform_1(%arg0: i32) -> (i32, i32) {
    %c0_i32 = arith.constant 0 : i32
    %c0_i32_0 = arith.constant 0 : i32
    %c0_i32_1 = arith.constant 0 : i32
    return %c0_i32, %c0_i32_0 : i32, i32
  }
  func.func @transform_2(%arg0: i32) -> (i32, i32) {
    %c0_i32 = arith.constant 0 : i32
    %c0_i32_0 = arith.constant 0 : i32
    return %arg0, %c0_i32 : i32, i32
  }
}

module attributes {stable_mosaic.version = 14 : i64} {
  func.func @_layer_body(%arg0: i32, %arg1: memref<1x1024x128xf32, #tpu.memory_space<vmem>>, %arg2: memref<1x1024x128xf32, #tpu.memory_space<vmem>>, %arg3: memref<1024x8xf32, #tpu.memory_space<vmem>>, %arg4: memref<128x128xf32, #tpu.memory_space<vmem>>, %arg5: memref<8x128xf32, #tpu.memory_space<vmem>>, %arg6: memref<1x128xf32, #tpu.memory_space<vmem>>, %arg7: memref<1024x128xf32, #tpu.memory_space<vmem>>) attributes {dimension_semantics = [#tpu.dimension_semantics<arbitrary>], iteration_bounds = array<i64: 10>, scalar_prefetch = 0 : i64, scratch_operands = 0 : i64, tpu.core_type = #tpu.core_type<tc>, window_params = [{transform_indices = @transform_0, window_bounds = array<i64: 1, 1024, 128>}, {transform_indices = @transform_1, window_bounds = array<i64: 1, 1024, 128>}, {transform_indices = @transform_2, window_bounds = array<i64: 1024, 8>}, {pipeline_mode = #tpu.pipeline_mode<synchronous>, transform_indices = @transform_3, window_bounds = array<i64: 128, 128>}, {pipeline_mode = #tpu.pipeline_mode<synchronous>, transform_indices = @transform_4, window_bounds = array<i64: 8, 128>}, {pipeline_mode = #tpu.pipeline_mode<synchronous>, transform_indices = @transform_5, window_bounds = array<i64: 1, 128>}, {transform_indices = @transform_6, window_bounds = array<i64: 1024, 128>}]} {
    %get3A = arith.constant 0 : index
    %get3A_0 = arith.constant 0 : index
    %get3A_1 = arith.constant 0 : index
    %get3A_2 = vector.load %arg1[%get3A, %get3A_0, %get3A_1] : memref<1x1024x128xf32, #tpu.memory_space<vmem>>, vector<1x1024x128xf32>
    %get3A_3 = vector.shape_cast %get3A_2 : vector<1x1024x128xf32> to vector<1024x128xf32>
    %get3A_4 = arith.constant 0 : index
    %get3A_5 = arith.constant 0 : index
    %get3A_6 = arith.constant 0 : index
    %get3A_7 = vector.load %arg2[%get3A_4, %get3A_5, %get3A_6] : memref<1x1024x128xf32, #tpu.memory_space<vmem>>, vector<1x1024x128xf32>
    %get3A_8 = vector.shape_cast %get3A_7 : vector<1x1024x128xf32> to vector<1024x128xf32>
    %add3A = arith.addf %get3A_3, %get3A_8 : vector<1024x128xf32>
    %get3A_9 = arith.constant 0 : index
    %get3A_10 = arith.constant 0 : index
    %get3A_11 = vector.load %arg3[%get3A_9, %get3A_10] : memref<1024x8xf32, #tpu.memory_space<vmem>>, vector<1024x8xf32>
    %get3A_12 = arith.constant 0 : index
    %get3A_13 = arith.constant 0 : index
    %get3A_14 = vector.load %arg5[%get3A_12, %get3A_13] : memref<8x128xf32, #tpu.memory_space<vmem>>, vector<8x128xf32>
    %convert_element_type3A = arith.truncf %get3A_11 : vector<1024x8xf32> to vector<1024x8xbf16>
    %convert_element_type3A_15 = arith.truncf %get3A_14 : vector<8x128xf32> to vector<8x128xbf16>
    %dot_general3A = arith.constant dense<0.000000e+00> : vector<1024x128xf32>
    %dot_general3A_16 = tpu.matmul %convert_element_type3A, %convert_element_type3A_15, %dot_general3A {dimension_numbers = #tpu.dot_dimension_numbers<[1], [0], [0], [1], [0, 0, 1, 1], [], []>, transpose_lhs_hint = false} : vector<1024x8xbf16>, vector<8x128xbf16>, vector<1024x128xf32> -> vector<1024x128xf32>
    %add3A_17 = arith.addf %add3A, %dot_general3A_16 : vector<1024x128xf32>
    %get3A_18 = arith.constant 0 : index
    %get3A_19 = arith.constant 0 : index
    %get3A_20 = vector.load %arg6[%get3A_18, %get3A_19] : memref<1x128xf32, #tpu.memory_space<vmem>>, vector<1x128xf32>
    %add3A_21 = vector.broadcast %get3A_20 : vector<1x128xf32> to vector<1024x128xf32>
    %add3A_22 = arith.addf %add3A_17, %add3A_21 : vector<1024x128xf32>
    %max3A = arith.constant 0.000000e+00 : f32
    %max3A_23 = vector.broadcast %max3A : f32 to vector<1024x128xf32>
    %max3A_24 = arith.maximumf %add3A_22, %max3A_23 : vector<1024x128xf32>
    %swap3A = arith.constant 0 : index
    %swap3A_25 = arith.constant 0 : index
    %swap3A_26 = vector.load %arg7[%swap3A, %swap3A_25] : memref<1024x128xf32, #tpu.memory_space<vmem>>, vector<1024x128xf32>
    tpu.vector_store %arg7[%swap3A, %swap3A_25], %max3A_24 {strides = array<i32>} : memref<1024x128xf32, #tpu.memory_space<vmem>>, vector<1024x128xf32>,
    return
  }
  func.func @transform_0(%arg0: i32) -> (i32, i32, i32) {
    %c0_i32 = arith.constant 0 : i32
    %c0_i32_0 = arith.constant 0 : i32
    %c0_i32_1 = arith.constant 0 : i32
    return %c0_i32, %arg0, %c0_i32_0 : i32, i32, i32
  }
  func.func @transform_1(%arg0: i32) -> (i32, i32, i32) {
    %c1_i32 = arith.constant 1 : i32
    %c0_i32 = arith.constant 0 : i32
    %c0_i32_0 = arith.constant 0 : i32
    return %c1_i32, %arg0, %c0_i32 : i32, i32, i32
  }
  func.func @transform_2(%arg0: i32) -> (i32, i32) {
    %c0_i32 = arith.constant 0 : i32
    %c0_i32_0 = arith.constant 0 : i32
    return %arg0, %c0_i32 : i32, i32
  }
  func.func @transform_3(%arg0: i32) -> (i32, i32) {
    %c0_i32 = arith.constant 0 : i32
    %c0_i32_0 = arith.constant 0 : i32
    %c0_i32_1 = arith.constant 0 : i32
    return %c0_i32, %c0_i32_0 : i32, i32
  }
  func.func @transform_4(%arg0: i32) -> (i32, i32) {
    %c0_i32 = arith.constant 0 : i32
    %c0_i32_0 = arith.constant 0 : i32
    %c0_i32_1 = arith.constant 0 : i32
    return %c0_i32, %c0_i32_0 : i32, i32
  }
  func.func @transform_5(%arg0: i32) -> (i32, i32) {
    %c0_i32 = arith.constant 0 : i32
    %c0_i32_0 = arith.constant 0 : i32
    %c0_i32_1 = arith.constant 0 : i32
    return %c0_i32, %c0_i32_0 : i32, i32
  }
  func.func @transform_6(%arg0: i32) -> (i32, i32) {
    %c0_i32 = arith.constant 0 : i32
    %c0_i32_0 = arith.constant 0 : i32
    return %arg0, %c0_i32 : i32, i32
  }
}

module attributes {stable_mosaic.version = 14 : i64} {
  func.func @_layer_body(%arg0: i32, %arg1: memref<1x1024x128xf32, #tpu.memory_space<vmem>>, %arg2: memref<1x1024x128xf32, #tpu.memory_space<vmem>>, %arg3: memref<1024x128xf32, #tpu.memory_space<vmem>>, %arg4: memref<128x128xf32, #tpu.memory_space<vmem>>, %arg5: memref<128x128xf32, #tpu.memory_space<vmem>>, %arg6: memref<1x128xf32, #tpu.memory_space<vmem>>, %arg7: memref<1024x128xf32, #tpu.memory_space<vmem>>) attributes {dimension_semantics = [#tpu.dimension_semantics<arbitrary>], iteration_bounds = array<i64: 10>, scalar_prefetch = 0 : i64, scratch_operands = 0 : i64, tpu.core_type = #tpu.core_type<tc>, window_params = [{transform_indices = @transform_0, window_bounds = array<i64: 1, 1024, 128>}, {transform_indices = @transform_1, window_bounds = array<i64: 1, 1024, 128>}, {transform_indices = @transform_2, window_bounds = array<i64: 1024, 128>}, {pipeline_mode = #tpu.pipeline_mode<synchronous>, transform_indices = @transform_3, window_bounds = array<i64: 128, 128>}, {pipeline_mode = #tpu.pipeline_mode<synchronous>, transform_indices = @transform_4, window_bounds = array<i64: 128, 128>}, {pipeline_mode = #tpu.pipeline_mode<synchronous>, transform_indices = @transform_5, window_bounds = array<i64: 1, 128>}, {transform_indices = @transform_6, window_bounds = array<i64: 1024, 128>}]} {
    %get3A = arith.constant 0 : index
    %get3A_0 = arith.constant 0 : index
    %get3A_1 = arith.constant 0 : index
    %get3A_2 = vector.load %arg1[%get3A, %get3A_0, %get3A_1] : memref<1x1024x128xf32, #tpu.memory_space<vmem>>, vector<1x1024x128xf32>
    %get3A_3 = vector.shape_cast %get3A_2 : vector<1x1024x128xf32> to vector<1024x128xf32>
    %get3A_4 = arith.constant 0 : index
    %get3A_5 = arith.constant 0 : index
    %get3A_6 = arith.constant 0 : index
    %get3A_7 = vector.load %arg2[%get3A_4, %get3A_5, %get3A_6] : memref<1x1024x128xf32, #tpu.memory_space<vmem>>, vector<1x1024x128xf32>
    %get3A_8 = vector.shape_cast %get3A_7 : vector<1x1024x128xf32> to vector<1024x128xf32>
    %add3A = arith.addf %get3A_3, %get3A_8 : vector<1024x128xf32>
    %get3A_9 = arith.constant 0 : index
    %get3A_10 = arith.constant 0 : index
    %get3A_11 = vector.load %arg4[%get3A_9, %get3A_10] : memref<128x128xf32, #tpu.memory_space<vmem>>, vector<128x128xf32>
    %convert_element_type3A = arith.truncf %add3A : vector<1024x128xf32> to vector<1024x128xbf16>
    %convert_element_type3A_12 = arith.truncf %get3A_11 : vector<128x128xf32> to vector<128x128xbf16>
    %dot_general3A = arith.constant dense<0.000000e+00> : vector<1024x128xf32>
    %dot_general3A_13 = tpu.matmul %convert_element_type3A, %convert_element_type3A_12, %dot_general3A {dimension_numbers = #tpu.dot_dimension_numbers<[1], [0], [0], [1], [0, 0, 1, 1], [], []>, transpose_lhs_hint = false} : vector<1024x128xbf16>, vector<128x128xbf16>, vector<1024x128xf32> -> vector<1024x128xf32>
    %get3A_14 = arith.constant 0 : index
    %get3A_15 = arith.constant 0 : index
    %get3A_16 = vector.load %arg3[%get3A_14, %get3A_15] : memref<1024x128xf32, #tpu.memory_space<vmem>>, vector<1024x128xf32>
    %get3A_17 = arith.constant 0 : index
    %get3A_18 = arith.constant 0 : index
    %get3A_19 = vector.load %arg5[%get3A_17, %get3A_18] : memref<128x128xf32, #tpu.memory_space<vmem>>, vector<128x128xf32>
    %convert_element_type3A_20 = arith.truncf %get3A_16 : vector<1024x128xf32> to vector<1024x128xbf16>
    %convert_element_type3A_21 = arith.truncf %get3A_19 : vector<128x128xf32> to vector<128x128xbf16>
    %dot_general3A_22 = arith.constant dense<0.000000e+00> : vector<1024x128xf32>
    %dot_general3A_23 = tpu.matmul %convert_element_type3A_20, %convert_element_type3A_21, %dot_general3A_22 {dimension_numbers = #tpu.dot_dimension_numbers<[1], [0], [0], [1], [0, 0, 1, 1], [], []>, transpose_lhs_hint = false} : vector<1024x128xbf16>, vector<128x128xbf16>, vector<1024x128xf32> -> vector<1024x128xf32>
    %add3A_24 = arith.addf %dot_general3A_13, %dot_general3A_23 : vector<1024x128xf32>
    %get3A_25 = arith.constant 0 : index
    %get3A_26 = arith.constant 0 : index
    %get3A_27 = vector.load %arg6[%get3A_25, %get3A_26] : memref<1x128xf32, #tpu.memory_space<vmem>>, vector<1x128xf32>
    %add3A_28 = vector.broadcast %get3A_27 : vector<1x128xf32> to vector<1024x128xf32>
    %add3A_29 = arith.addf %add3A_24, %add3A_28 : vector<1024x128xf32>
    %max3A = arith.constant 0.000000e+00 : f32
    %max3A_30 = vector.broadcast %max3A : f32 to vector<1024x128xf32>
    %max3A_31 = arith.maximumf %add3A_29, %max3A_30 : vector<1024x128xf32>
    %swap3A = arith.constant 0 : index
    %swap3A_32 = arith.constant 0 : index
    %swap3A_33 = vector.load %arg7[%swap3A, %swap3A_32] : memref<1024x128xf32, #tpu.memory_space<vmem>>, vector<1024x128xf32>
    tpu.vector_store %arg7[%swap3A, %swap3A_32], %max3A_31 {strides = array<i32>} : memref<1024x128xf32, #tpu.memory_space<vmem>>, vector<1024x128xf32>,
    return
  }
  func.func @transform_0(%arg0: i32) -> (i32, i32, i32) {
    %c0_i32 = arith.constant 0 : i32
    %c0_i32_0 = arith.constant 0 : i32
    %c0_i32_1 = arith.constant 0 : i32
    return %c0_i32, %arg0, %c0_i32_0 : i32, i32, i32
  }
  func.func @transform_1(%arg0: i32) -> (i32, i32, i32) {
    %c1_i32 = arith.constant 1 : i32
    %c0_i32 = arith.constant 0 : i32
    %c0_i32_0 = arith.constant 0 : i32
    return %c1_i32, %arg0, %c0_i32 : i32, i32, i32
  }
  func.func @transform_2(%arg0: i32) -> (i32, i32) {
    %c0_i32 = arith.constant 0 : i32
    %c0_i32_0 = arith.constant 0 : i32
    return %arg0, %c0_i32 : i32, i32
  }
  func.func @transform_3(%arg0: i32) -> (i32, i32) {
    %c0_i32 = arith.constant 0 : i32
    %c0_i32_0 = arith.constant 0 : i32
    %c0_i32_1 = arith.constant 0 : i32
    return %c0_i32, %c0_i32_0 : i32, i32
  }
  func.func @transform_4(%arg0: i32) -> (i32, i32) {
    %c0_i32 = arith.constant 0 : i32
    %c0_i32_0 = arith.constant 0 : i32
    %c0_i32_1 = arith.constant 0 : i32
    return %c0_i32, %c0_i32_0 : i32, i32
  }
  func.func @transform_5(%arg0: i32) -> (i32, i32) {
    %c0_i32 = arith.constant 0 : i32
    %c0_i32_0 = arith.constant 0 : i32
    %c0_i32_1 = arith.constant 0 : i32
    return %c0_i32, %c0_i32_0 : i32, i32
  }
  func.func @transform_6(%arg0: i32) -> (i32, i32) {
    %c0_i32 = arith.constant 0 : i32
    %c0_i32_0 = arith.constant 0 : i32
    return %arg0, %c0_i32 : i32, i32
  }
}

module attributes {stable_mosaic.version = 14 : i64} {
  func.func @_pool_body(%arg0: memref<10240x128xf32, #tpu.memory_space<vmem>>, %arg1: memref<10240x1xi32, #tpu.memory_space<vmem>>, %arg2: memref<128x2xf32, #tpu.memory_space<vmem>>, %arg3: memref<1x2xf32, #tpu.memory_space<vmem>>, %arg4: memref<64x2xf32, #tpu.memory_space<vmem>>) attributes {dimension_semantics = [], scalar_prefetch = 0 : i64, scratch_operands = 0 : i64, tpu.core_type = #tpu.core_type<tc>} {
    %get3A = arith.constant 0 : index
    %get3A_0 = arith.constant 0 : index
    %get3A_1 = vector.load %arg1[%get3A, %get3A_0] : memref<10240x1xi32, #tpu.memory_space<vmem>>, vector<10240x1xi32>
    %iota3A = tpu.iota {dimensions = array<i32: 1>} : vector<1x64xi32>
    %eq3A = vector.broadcast %get3A_1 : vector<10240x1xi32> to vector<10240x64xi32>
    %eq3A_2 = vector.broadcast %iota3A : vector<1x64xi32> to vector<10240x64xi32>
    %eq3A_3 = arith.cmpi eq, %eq3A, %eq3A_2 : vector<10240x64xi32>
    %convert_element_type3A = arith.extui %eq3A_3 : vector<10240x64xi1> to vector<10240x64xi32>
    %convert_element_type3A_4 = arith.sitofp %convert_element_type3A : vector<10240x64xi32> to vector<10240x64xf32>
    %get3A_5 = arith.constant 0 : index
    %get3A_6 = arith.constant 0 : index
    %get3A_7 = vector.load %arg0[%get3A_5, %get3A_6] : memref<10240x128xf32, #tpu.memory_space<vmem>>, vector<10240x128xf32>
    %dot_general3A = arith.constant dense<0.000000e+00> : vector<64x128xf32>
    %dot_general3A_8 = tpu.matmul %convert_element_type3A_4, %get3A_7, %dot_general3A {dimension_numbers = #tpu.dot_dimension_numbers<[0], [0], [1], [1], [0, 1, 1, 1], [], []>, transpose_lhs_hint = false} : vector<10240x64xf32>, vector<10240x128xf32>, vector<64x128xf32> -> vector<64x128xf32>
    %reduce_sum3A = arith.constant dense<0.000000e+00> : vector<64xf32>
    %reduce_sum3A_9 = vector.multi_reduction <add>, %convert_element_type3A_4, %reduce_sum3A [0] : vector<10240x64xf32> to vector<64xf32>
    %broadcast_in_dim3A = vector.shape_cast %reduce_sum3A_9 : vector<64xf32> to vector<64x1xf32>
    %max3A = arith.constant 1.000000e+00 : f32
    %max3A_10 = vector.broadcast %max3A : f32 to vector<64x1xf32>
    %max3A_11 = arith.maximumf %broadcast_in_dim3A, %max3A_10 : vector<64x1xf32>
    %div3A = vector.broadcast %max3A_11 : vector<64x1xf32> to vector<64x128xf32>
    %div3A_12 = arith.divf %dot_general3A_8, %div3A : vector<64x128xf32>
    %get3A_13 = arith.constant 0 : index
    %get3A_14 = arith.constant 0 : index
    %get3A_15 = vector.load %arg2[%get3A_13, %get3A_14] : memref<128x2xf32, #tpu.memory_space<vmem>>, vector<128x2xf32>
    %convert_element_type3A_16 = arith.truncf %div3A_12 : vector<64x128xf32> to vector<64x128xbf16>
    %convert_element_type3A_17 = arith.truncf %get3A_15 : vector<128x2xf32> to vector<128x2xbf16>
    %dot_general3A_18 = arith.constant dense<0.000000e+00> : vector<64x2xf32>
    %dot_general3A_19 = tpu.matmul %convert_element_type3A_16, %convert_element_type3A_17, %dot_general3A_18 {dimension_numbers = #tpu.dot_dimension_numbers<[1], [0], [0], [1], [0, 0, 1, 1], [], []>, transpose_lhs_hint = false} : vector<64x128xbf16>, vector<128x2xbf16>, vector<64x2xf32> -> vector<64x2xf32>
    %get3A_20 = arith.constant 0 : index
    %get3A_21 = arith.constant 0 : index
    %get3A_22 = vector.load %arg3[%get3A_20, %get3A_21] : memref<1x2xf32, #tpu.memory_space<vmem>>, vector<1x2xf32>
    %add3A = vector.broadcast %get3A_22 : vector<1x2xf32> to vector<64x2xf32>
    %add3A_23 = arith.addf %dot_general3A_19, %add3A : vector<64x2xf32>
    %swap3A = arith.constant 0 : index
    %swap3A_24 = arith.constant 0 : index
    %swap3A_25 = vector.load %arg4[%swap3A, %swap3A_24] : memref<64x2xf32, #tpu.memory_space<vmem>>, vector<64x2xf32>
    tpu.vector_store %arg4[%swap3A, %swap3A_24], %add3A_23 {strides = array<i32>} : memref<64x2xf32, #tpu.memory_space<vmem>>, vector<64x2xf32>,
    return
  }
}

module attributes {stable_mosaic.version = 14 : i64} {
  func.func @_layer_body(%arg0: i32, %arg1: memref<1x1024x128xf32, #tpu.memory_space<vmem>>, %arg2: memref<1x1024x128xf32, #tpu.memory_space<vmem>>, %arg3: memref<1024x128xf32, #tpu.memory_space<vmem>>, %arg4: memref<128x128xf32, #tpu.memory_space<vmem>>, %arg5: memref<128x128xf32, #tpu.memory_space<vmem>>, %arg6: memref<1x128xf32, #tpu.memory_space<vmem>>, %arg7: memref<1024x128xf32, #tpu.memory_space<vmem>>) attributes {dimension_semantics = [#tpu.dimension_semantics<arbitrary>], iteration_bounds = array<i64: 10>, scalar_prefetch = 0 : i64, scratch_operands = 0 : i64, tpu.core_type = #tpu.core_type<tc>, window_params = [{transform_indices = @transform_0, window_bounds = array<i64: 1, 1024, 128>}, {transform_indices = @transform_1, window_bounds = array<i64: 1, 1024, 128>}, {transform_indices = @transform_2, window_bounds = array<i64: 1024, 128>}, {pipeline_mode = #tpu.pipeline_mode<synchronous>, transform_indices = @transform_3, window_bounds = array<i64: 128, 128>}, {pipeline_mode = #tpu.pipeline_mode<synchronous>, transform_indices = @transform_4, window_bounds = array<i64: 128, 128>}, {pipeline_mode = #tpu.pipeline_mode<synchronous>, transform_indices = @transform_5, window_bounds = array<i64: 1, 128>}, {transform_indices = @transform_6, window_bounds = array<i64: 1024, 128>}]} {
    %get3A = arith.constant 0 : index
    %get3A_0 = arith.constant 0 : index
    %get3A_1 = arith.constant 0 : index
    %get3A_2 = vector.load %arg1[%get3A, %get3A_0, %get3A_1] : memref<1x1024x128xf32, #tpu.memory_space<vmem>>, vector<1x1024x128xf32>
    %get3A_3 = vector.shape_cast %get3A_2 : vector<1x1024x128xf32> to vector<1024x128xf32>
    %get3A_4 = arith.constant 0 : index
    %get3A_5 = arith.constant 0 : index
    %get3A_6 = arith.constant 0 : index
    %get3A_7 = vector.load %arg2[%get3A_4, %get3A_5, %get3A_6] : memref<1x1024x128xf32, #tpu.memory_space<vmem>>, vector<1x1024x128xf32>
    %get3A_8 = vector.shape_cast %get3A_7 : vector<1x1024x128xf32> to vector<1024x128xf32>
    %add3A = arith.addf %get3A_3, %get3A_8 : vector<1024x128xf32>
    %get3A_9 = arith.constant 0 : index
    %get3A_10 = arith.constant 0 : index
    %get3A_11 = vector.load %arg4[%get3A_9, %get3A_10] : memref<128x128xf32, #tpu.memory_space<vmem>>, vector<128x128xf32>
    %convert_element_type3A = arith.truncf %add3A : vector<1024x128xf32> to vector<1024x128xbf16>
    %convert_element_type3A_12 = arith.truncf %get3A_11 : vector<128x128xf32> to vector<128x128xbf16>
    %dot_general3A = arith.constant dense<0.000000e+00> : vector<1024x128xf32>
    %dot_general3A_13 = tpu.matmul %convert_element_type3A, %convert_element_type3A_12, %dot_general3A {dimension_numbers = #tpu.dot_dimension_numbers<[1], [0], [0], [1], [0, 0, 1, 1], [], []>, transpose_lhs_hint = false} : vector<1024x128xbf16>, vector<128x128xbf16>, vector<1024x128xf32> -> vector<1024x128xf32>
    %get3A_14 = arith.constant 0 : index
    %get3A_15 = arith.constant 0 : index
    %get3A_16 = vector.load %arg3[%get3A_14, %get3A_15] : memref<1024x128xf32, #tpu.memory_space<vmem>>, vector<1024x128xf32>
    %get3A_17 = arith.constant 0 : index
    %get3A_18 = arith.constant 0 : index
    %get3A_19 = vector.load %arg5[%get3A_17, %get3A_18] : memref<128x128xf32, #tpu.memory_space<vmem>>, vector<128x128xf32>
    %convert_element_type3A_20 = arith.truncf %get3A_16 : vector<1024x128xf32> to vector<1024x128xbf16>
    %convert_element_type3A_21 = arith.truncf %get3A_19 : vector<128x128xf32> to vector<128x128xbf16>
    %dot_general3A_22 = arith.constant dense<0.000000e+00> : vector<1024x128xf32>
    %dot_general3A_23 = tpu.matmul %convert_element_type3A_20, %convert_element_type3A_21, %dot_general3A_22 {dimension_numbers = #tpu.dot_dimension_numbers<[1], [0], [0], [1], [0, 0, 1, 1], [], []>, transpose_lhs_hint = false} : vector<1024x128xbf16>, vector<128x128xbf16>, vector<1024x128xf32> -> vector<1024x128xf32>
    %add3A_24 = arith.addf %dot_general3A_13, %dot_general3A_23 : vector<1024x128xf32>
    %get3A_25 = arith.constant 0 : index
    %get3A_26 = arith.constant 0 : index
    %get3A_27 = vector.load %arg6[%get3A_25, %get3A_26] : memref<1x128xf32, #tpu.memory_space<vmem>>, vector<1x128xf32>
    %add3A_28 = vector.broadcast %get3A_27 : vector<1x128xf32> to vector<1024x128xf32>
    %add3A_29 = arith.addf %add3A_24, %add3A_28 : vector<1024x128xf32>
    %swap3A = arith.constant 0 : index
    %swap3A_30 = arith.constant 0 : index
    %swap3A_31 = vector.load %arg7[%swap3A, %swap3A_30] : memref<1024x128xf32, #tpu.memory_space<vmem>>, vector<1024x128xf32>
    tpu.vector_store %arg7[%swap3A, %swap3A_30], %add3A_29 {strides = array<i32>} : memref<1024x128xf32, #tpu.memory_space<vmem>>, vector<1024x128xf32>,
    return
  }
  func.func @transform_0(%arg0: i32) -> (i32, i32, i32) {
    %c0_i32 = arith.constant 0 : i32
    %c0_i32_0 = arith.constant 0 : i32
    %c0_i32_1 = arith.constant 0 : i32
    return %c0_i32, %arg0, %c0_i32_0 : i32, i32, i32
  }
  func.func @transform_1(%arg0: i32) -> (i32, i32, i32) {
    %c1_i32 = arith.constant 1 : i32
    %c0_i32 = arith.constant 0 : i32
    %c0_i32_0 = arith.constant 0 : i32
    return %c1_i32, %arg0, %c0_i32 : i32, i32, i32
  }
  func.func @transform_2(%arg0: i32) -> (i32, i32) {
    %c0_i32 = arith.constant 0 : i32
    %c0_i32_0 = arith.constant 0 : i32
    return %arg0, %c0_i32 : i32, i32
  }
  func.func @transform_3(%arg0: i32) -> (i32, i32) {
    %c0_i32 = arith.constant 0 : i32
    %c0_i32_0 = arith.constant 0 : i32
    %c0_i32_1 = arith.constant 0 : i32
    return %c0_i32, %c0_i32_0 : i32, i32
  }
  func.func @transform_4(%arg0: i32) -> (i32, i32) {
    %c0_i32 = arith.constant 0 : i32
    %c0_i32_0 = arith.constant 0 : i32
    %c0_i32_1 = arith.constant 0 : i32
    return %c0_i32, %c0_i32_0 : i32, i32
  }
  func.func @transform_5(%arg0: i32) -> (i32, i32) {
    %c0_i32 = arith.constant 0 : i32
    %c0_i32_0 = arith.constant 0 : i32
    %c0_i32_1 = arith.constant 0 : i32
    return %c0_i32, %c0_i32_0 : i32, i32
  }
  func.func @transform_6(%arg0: i32) -> (i32, i32) {
    %c0_i32 = arith.constant 0 : i32
    %c0_i32_0 = arith.constant 0 : i32
    return %arg0, %c0_i32 : i32, i32
  }
}

</mosaic_0001>

<sc_bundles>
// kernel: kernel.12.cloned.1.call-start
scs
__scs_entry_jumppad:
0x0: {  	(pc) =	sbr.rel $0x88, $3  }
0x1: {  	(tag) =	ssettag $0x0;
	lr =	simm.s32 $0x1  }
0x2: {  	[smem:$0x3F90] =	sst lr;
	_ =	strace $0xD0000000  }
0x3: {  	_ = 	snop  }
0x4: {  	_ = 	snop  }
0x5: {  	_ = 	snop  }
0x6: {  	_ = 	snop  }
0x7: {  	_ = 	snop  }
__scs_overlays_trampoline_lowered:
0x8: {  	[smem:$0x3F9F] =	sst s0  }
0x9: {  	[smem:$0x3FA0] =	sst s1  }
0xa: {  	[smem:$0x3FA1] =	sst s2  }
0xb: {  	[smem:$0x3FA2] =	sst s3  }
0xc: {  	[smem:$0x3FA3] =	sst s4  }
0xd: {  	[smem:$0x3FA4] =	sst s5  }
0xe: {  	[smem:$0x3FA5] =	sst s6  }
0xf: {  	[smem:$0x3FA6] =	sst s7  }
0x10: {  	[smem:$0x3FA7] =	sst s8  }
0x11: {  	[smem:$0x3FA8] =	sst s9;
	s0 =	simm.s32 @!p0 $0x0  }
0x12: {  	s1 =	sld [smem:$0x3F8E];
	s0 =	simm.s32 @p0 $0x1  }
0x13: {  	[smem:$0x3FA9] =	sst s0;
	s0 =	simm.s32 @!p1 $0x0  }
0x14: {  	s2 =	sld [smem:$0x3F8D];
	s0 =	simm.s32 @p1 $0x1  }
0x15: {  	[smem:$0x3FAA] =	sst s0;
	s0 =	simm.s32 @!p2 $0x0  }
0x16: {  	s3 =	sld [smem:$0x3FDB];
	s0 =	simm.s32 @p2 $0x1  }
0x17: {  	s4 =	simm.s32 $0x1BF5;
	[smem:$0x3FAC] =	sst s0  }
0x18: {  	s0 =	sld [smem:$0x3F8F];
	_ =	swait.ge [sflag:s4], $0x0  }
0x19: {  	s7 =	sld [smem:$0x3F90]  }
0x1a: {  	s8 =	sadd.s32 $0xFFFFE003, lr  }
0x1b: {  	s9 =	sadd.s32 $0xFFFFFEF7, lr;
	s5 =	simm.s32 $0xFFFFFFFF;
	p2 =	slt.u32 s8, $0xFFFFF086  }
0x1c: {  	p1 =	slt.u32 s9, $0xF7A;
	s5 =	simm.s32 @!p2 $0x0  }
0x1d: {  	s5 =	simm.s32 @p1 $0x1;
	p0 =	seq.s32 s7, s2  }
0x1e: {  	s7 =	smul.u32 @!p0 $0xF7A, s2;
	p2 =	seq.s32 @!p0 s5, $0x0  }
0x1f: {  	s9 =	smul.u32 $0xF7A, s1;
	s8 =	simm.s32 @!p0 $0x1BF5;
	p2 =	por !p2, p0  }
0x20: {  	[sflag:s8] =	ssyncset.s32 @!p0 $0xFFFFF086;
	s6 =	sadd.s32 @!p0 s3, s7;
	s7 =	simm.s32 @!p0 $0x108  }
0x21: {  	s3 =	sadd.s32 s3, s9;
	s6 =	sadd.s32 @!p0 $0x88, s6;
	s7 =	simm.s32 @p2 $0x1082  }
0x22: {  	[simem:s7], [sflag:s8] =	dma.local @!p0 [hbm:s6], $0xF7A  }
0x23: {  	s9 =	sor.u32 $0xD0000000, s2;
	s6 =	simm.s32 $0x108;
	_ =	swait.ge @!p0 [sflag:s8], $0x0  }
0x24: {  	s3 =	sadd.s32 $0x88, s3;
	s6 =	simm.s32 @!p1 $0x1082;
	[sflag:s4] =	ssyncset.s32 $0xFFFFF086  }
0x25: {  	[simem:s6], [sflag:s4] =	dma.local [hbm:s3], $0xF7A  }
0x26: {  	[smem:$0x3F90] =	sst s1;
	(tag) =	ssettag s2;
	_ =	strace s9  }
0x27: {  	s1 =	sld [smem:$0x3FA0]  }
0x28: {  	s2 =	sld [smem:$0x3FA1]  }
0x29: {  	s4 =	sld [smem:$0x3FA3]  }
0x2a: {  	p0 =	seq.s32 s5, $0x0;
	s5 =	sld [smem:$0x3FA4]  }
0x2b: {  	s6 =	sld [smem:$0x3FA5]  }
0x2c: {  	s7 =	sld [smem:$0x3FA6]  }
0x2d: {  	s3 =	simm.s32 $0x108;
	s8 =	sld [smem:$0x3FA7]  }
0x2e: {  	s3 =	simm.s32 @!p0 $0x1082;
	s9 =	sld [smem:$0x3FA8]  }
0x2f: {  	lr =	sadd.s32 s0, s3;
	s0 =	sld [smem:$0x3F9F]  }
0x30: {  	s3 =	sld [smem:$0x3FA2]  }
0x31: {  	[smem:$0x3FAB] =	sst s10  }
0x32: {  	s10 =	sld [smem:$0x3FA9];
	_ =	sdelay $0x3  }
0x33: {  	p0 =	seq.s32 s10, $0x1;
	s10 =	sld [smem:$0x3FAB];
	_ =	sdelay $0x3  }
0x34: {  	[smem:$0x3FAB] =	sst s10  }
0x35: {  	s10 =	sld [smem:$0x3FAA];
	_ =	sdelay $0x3  }
0x36: {  	p1 =	seq.s32 s10, $0x1;
	s10 =	sld [smem:$0x3FAB];
	_ =	sdelay $0x3  }
0x37: {  	[smem:$0x3FAB] =	sst s10  }
0x38: {  	s10 =	sld [smem:$0x3FAC]  }
0x39: {  	_ = 	snop;
	(pc) =	sbr.ind lr, $3  }
0x3a: {  	_ = 	snop  }
0x3b: {  	_ = 	snop  }
0x3c: {  	p2 =	seq.s32 s10, $0x1;
	s10 =	sld [smem:$0x3FAB]  }
0x3d: {  	_ =	shalt  }
0x3e: {  	_ =	shalt  }
0x3f: {  	_ =	shalt  }
0x40: {  	_ =	shalt  }
0x41: {  	_ =	shalt  }
0x42: {  	_ =	shalt  }
0x43: {  	_ =	shalt  }
0x44: {  	_ =	shalt  }
0x45: {  	_ =	shalt  }
0x46: {  	_ =	shalt  }
0x47: {  	_ =	shalt  }
0x48: {  	_ =	shalt  }
0x49: {  	_ =	shalt  }
0x4a: {  	_ =	shalt  }
0x4b: {  	_ =	shalt  }
0x4c: {  	_ =	shalt  }
0x4d: {  	_ =	shalt  }
0x4e: {  	_ =	shalt  }
0x4f: {  	_ =	shalt  }
0x50: {  	_ =	shalt  }
0x51: {  	_ =	shalt  }
0x52: {  	_ =	shalt  }
0x53: {  	_ =	shalt  }
0x54: {  	_ =	shalt  }
0x55: {  	_ =	shalt  }
0x56: {  	_ =	shalt  }
0x57: {  	_ =	shalt  }
0x58: {  	_ =	shalt  }
0x59: {  	_ =	shalt  }
0x5a: {  	_ =	shalt  }
0x5b: {  	_ =	shalt  }
0x5c: {  	_ =	shalt  }
0x5d: {  	_ =	shalt  }
0x5e: {  	_ =	shalt  }
0x5f: {  	_ =	shalt  }
0x60: {  	_ =	shalt  }
0x61: {  	_ =	shalt  }
0x62: {  	_ =	shalt  }
0x63: {  	_ =	shalt  }
0x64: {  	_ =	shalt  }
0x65: {  	_ =	shalt  }
0x66: {  	_ =	shalt  }
0x67: {  	_ =	shalt  }
0x68: {  	_ =	shalt  }
0x69: {  	_ =	shalt  }
0x6a: {  	_ =	shalt  }
0x6b: {  	_ =	shalt  }
0x6c: {  	_ =	shalt  }
0x6d: {  	_ =	shalt  }
0x6e: {  	_ =	shalt  }
0x6f: {  	_ =	shalt  }
0x70: {  	_ =	shalt  }
0x71: {  	_ =	shalt  }
0x72: {  	_ =	shalt  }
0x73: {  	_ =	shalt  }
0x74: {  	_ =	shalt  }
0x75: {  	_ =	shalt  }
0x76: {  	_ =	shalt  }
0x77: {  	_ =	shalt  }
0x78: {  	_ =	shalt  }
0x79: {  	_ =	shalt  }
0x7a: {  	_ =	shalt  }
0x7b: {  	_ =	shalt  }
0x7c: {  	_ =	shalt  }
0x7d: {  	_ =	shalt  }
0x7e: {  	_ =	shalt  }
0x7f: {  	_ =	shalt  }
0x80: {  	_ =	shalt  }
0x81: {  	_ =	shalt  }
0x82: {  	_ =	shalt  }
0x83: {  	_ =	shalt  }
0x84: {  	_ =	shalt  }
0x85: {  	_ =	shalt  }
0x86: {  	_ =	shalt  }
0x87: {  	_ =	shalt  }
.Lfunc_end0:
.L_simem_size_0:
called_computation_lowered:
.L_overlay_start_0:
0x88: {  	s2 =	sld [smem:$0x3FD9]  }
0x89: {  	s3 =	sld [smem:$0x3FFE];
	_ =	sdelay $0x1  }
0x8a: {  	s1 =	srdreg.scid  }
0x8b: {  	s0 =	sand.u32 $0x1, s1  }
0x8c: {  	s16 =	sshll.u32 s0, $0xA;
	s2 =	sadd.s32 s3, s2  }
0x8d: {  	s2 =	sadd.s32 s2, s16  }
0x8e: {  	[smem:$0x3FB7] =	sst s2  }
0x8f: {  	_ = 	snop  }
0x90: {  	(tm) =	ssettm $0x1  }
0x91: {  	s17 =	sld [smem:$0x3FFB];
	_ =	sdelay $0x3  }
0x92: {  	_ =	strace s17  }
0x93: {  	s2 =	sld [smem:$0x3FFC];
	_ =	sdelay $0x3  }
0x94: {  	_ =	strace s2  }
0x95: {  	s2 =	sld [smem:$0x3FFD];
	_ =	sdelay $0x3  }
0x96: {  	_ =	strace s2  }
0x97: {  	_ =	strace $0x8FFFFFFF  }
0x98: {  	s18 =	sld [smem:$0x3FDB];
	_ =	sdelay $0x1  }
0x99: {  	s19 =	simm.s32 $_scs_section_size  }
0x9a: {  	s4 =	simm.s32 $_size__tile_overlayer_lowered;
	s5 =	simm.s32 $_tile_overlayer_lowered  }
0x9b: {  	s22 =	simm.s32 $0x1BFF;
	s21 =	sshll.u32 s5, $0x1;
	s2 =	sadd.s32 s19, s18  }
0x9c: {  	s6 =	simm.s32 $0x0;
	s20 =	sshll.u32 s4, $0x1;
	s4 =	sadd.s32 s21, s2  }
0x9d: {  	[timem:s6], [sflag:s22] =	dma.local [hbm:s4], s20  }
0x9e: {  	_ =	swait.ge [sflag:s22], s20  }
0x9f: {  	s3 =	ssub.s32 $0x0, s20;
	[sflag:s22] =	ssyncset.done $0x0  }
0xa0: {  	[sflag:s22] =	ssyncadd.s32 s3;
	_ =	sdelay $0x1  }
0xa1: {  	s23 =	simm.s32 $0x1B8B  }
0xa2: {  	_ =	swait.ge [sflag:s23], $0x1  }
0xa3: {  	[sflag:s23] =	ssyncset.done $0x0  }
0xa4: {  	s25 =	simm.s32 $0x1B8E;
	s24 =	sld [smem:$0x3FFE];
	[sflag:s23] =	ssyncadd.s32 $0xFFFFFFFF  }
0xa5: {  	s26 =	simm.s32 $execute0_lowered;
	[smem:$0x3FD2] =	sst s25  }
0xa6: {  	s4 =	sshll.u32 s26, $0x1;
	_ =	strace $0x80000046;
	[dreg:$0x1] =	wrdreg $0xFFFFFFFF  }
0xa7: {  	s28 =	simm.s32 $_size_execute0_lowered;
	s2 =	sadd.s32 s2, s4;
	[dreg:$0x0] =	wrdreg $0x0  }
0xa8: {  	s4 =	sshll.u32 s28, $0x1;
	[dreg:$0x2] =	wrdreg s2  }
0xa9: {  	[dreg:$0x3] =	wrdreg s4  }
0xaa: {  	[dreg:$0x4] =	wrdreg $0xC0  }
0xab: {  	_ =	task [dreg:s6], $0x5FFFF  }
0xac: {  	[dreg:$0x1] =	wrdreg $0xFFFFFFFF  }
0xad: {  	[dreg:$0x0] =	wrdreg $0x60  }
0xae: {  	[dreg:$0x2] =	wrdreg s24  }
0xaf: {  	[dreg:$0x3] =	wrdreg $0x90000  }
0xb0: {  	[dreg:$0x4] =	wrdreg $0x9  }
0xb1: {  	_ =	task.clear_ibuf [dreg:s6], $0x5FFFF;
	_ =	strace $0x90000046  }
0xb2: {  	s29 =	simm.s32 $0x9;
	_ =	strace $0x80000048  }
0xb3: {  	_ =	swait.ge [sflag:s29], $0x1  }
0xb4: {  	[sflag:s29] =	ssyncadd.s32 $0xFFFFFFFF  }
0xb5: {  	_ =	strace $0x90000048  }
0xb6: {  	_ =	sfence  }
0xb7: {  	s30 =	sld [smem:$0x0];
	_ =	sdelay $0x2  }
0xb8: {  	s31 =	sshll.u32 s1, $0xD;
	s1 =	sshrl.u32 s1, $0x2  }
0xb9: {  	s3 =	sand.u32 $0x4000, s31;
	s1 =	sadd.s32 s1, s30  }
0xba: {  	s0 =	sor.u32 s3, s0;
	s1 =	sshll.u32 s1, $0x11  }
0xbb: {  	s0 =	sor.u32 s1, s0  }
0xbc: {  	s0 =	sadd.s32 $0x8F2B, s0  }
0xbd: {  	[sflag:s0] =	ssyncadd.remote.s32 $0x1  }
0xbe: {  	_ =	sfence.sel $0xFFFF  }
0xbf: {  	[dreg:$0x0] =	wrdreg $0xFFFFFFFF;
	(pc) =	sbr.abs _section_cstart, $3  }
0xc0: {  	[dreg:$0x1] =	wrdreg $0xFFFFFFFF  }
0xc1: {  	_ =	task.clear_ibuf [dreg:s6], $0x2FFFF;
	_ =	strace $0x9FFFFFFF  }
0xc2: {  	(tm) =	ssettm $0x7FFFFFFF  }
0xc3: {  	_ =	shalt  }
tec
execute0_lowered:
.L_overlay_start_1:
0x0: {  	(tag) =	ssettag $0x1  }
0x1: {  	s1 =	srdreg.scid;
	s5 =	rddreg [dreg:$0x0]  }
0x2: {  	s0 =	stileid.u32;
	s2 =	rddreg [dreg:$0x1];
	s14 =	simm.s32 $0x2800  }
0x3: {  	s15 =	simm.s32 $0x5000;
	s16 =	simm.s32 $0x1;
	s6 =	sand.u32 $0x1, s1  }
0x4: {  	s25 =	sshll.u32 s0, $0x1;
	s3 =	sshrl.u32 s0, $0x2;
	s17 =	smul.u32 $0x2800, s0  }
0x5: {  	s1 =	rddreg [dreg:$0x2];
	s10 =	smul.u32 $0x50000, s0;
	s31 =	sshll.u32 s0, $0x6  }
0x6: {  	s4 =	sor.u32 s6, s25;
	s7 =	smul.u32 $0x14000, s3;
	s3 =	simm.s32 $0x0  }
0x7: {  	s26 =	smul.u32 $0x28000, s6;
	s6 =	ssub.s32 $0x2, s6;
	s8 =	sshll.u32 s4, $0x7  }
0x8: {  	s4 =	smul.u32 $0x500, s4;
	[smem:$0x7FF] =	sst s3;
	s11 =	sadd.s32 s17, s5  }
0x9: {  	s28 =	sshrl.u32 s6, $0x1;
	s29 =	sshrl.u32 s10, $0x2;
	s8 =	sand.u32 $0x380, s8  }
0xa: {  	_ =	strace $0x80000047;
	s12 =	sadd.s32 s26, s5;
	s30 =	ssub.s32 s6, s28  }
0xb: {  	s13 =	sadd.s32 s29, s2;
	s6 =	sor.u32 $0x1C02, s31;
	s7 =	sor.u32 s7, s8  }
0xc: {  	s9 =	sadd.s32 s4, s5;
	s4 =	sadd.s32 $0x17E00, s5;
	s18 =	sadd.s32 $0x67E00, s12  }
0xd: {  	s10 =	sshrl.u32 s13, $0x3;
	s12 =	simm.s32 $0x80;
	s13 =	simm.s32 $0x400  }
0xe: {  	s7 =	sshrl.u32 s7, $0x3;
	s8 =	sadd.s32 $0xDE00, s9;
	s9 =	smax.u32 s30, $0x1  }
0xf: {  	s17 =	sadd.s32 s17, s18;
	s18 =	simm.s32 $0x0;
	s7 =	sadd.s32 s7, s5  }
0x10: {  	s5 =	sadd.s32 $0x3FE00, s11;
	s11 =	simm.s32 $0x2;
	s7 =	sadd.s32 $0x3E00, s7  }
.LBB2_1:
0x11: {  	[spmem:s10], [sflag:s6] =	dma.local [hbm:s5], $0x2800  }
0x12: {  	_ =	swait.ge [sflag:s11], $0x2800  }
0x13: {  	[sflag:s11] =	ssyncset.done $0x0  }
0x14: {  	[sflag:s11] =	ssyncadd.s32 $0xFFFFD800  }
0x15: {  	[tilespmem:s3], [sflag:$0x2] =	stream.strided.gather [hbm4b:s7+s12], $0x2800, s13, s12, $0x38;
	[tilespmem:$0x1D000] =	vst v63  }
0x16: {  	_ =	swait.ge [sflag:s11], $0x2800  }
0x17: {  	[sflag:s11] =	ssyncset.done $0x0  }
0x18: {  	[sflag:s11] =	ssyncadd.s32 $0xFFFFD800  }
0x19: {  	[tilespmem:s14], [sflag:$0x2] =	stream.linear.gather [hbm4b:s8+s3], $0x2800, $0x38;
	[tilespmem:$0x1D000] =	vst v63  }
0x1a: {  	_ =	swait.ge [sflag:s11], $0x2800  }
0x1b: {  	[sflag:s11] =	ssyncset.done $0x0  }
0x1c: {  	[sflag:s11] =	ssyncadd.s32 $0xFFFFD800  }
0x1d: {  	s19 =	simm.s32 $0x0;
	[bflag:$0x0] =	sbarrier.arrive $0xFFFF  }
0x1e: {  	[tilespmem:s15], [sflag:$0x1] =	stream.indirect.gather [hbm4b:s4+s12], $0x80, s19, s12, $0xb8;
	[tilespmem:$0x1D000] =	vst v63  }
0x1f: {  	_ =	swait.ge [sflag:s16], $0x4000  }
0x20: {  	[sflag:s16] =	ssyncset.done $0x0  }
0x21: {  	s31 =	simm.s32 $0x2800;
	[sflag:s16] =	ssyncadd.s32 $0xFFFFC000  }
0x22: {  	[spmem:s2] =	stream.indirect.scatter.add.f32 [tilespmem:s15], [sflag:$0x2], $0x80, s31, s12, $0xb8;
	[tilespmem:$0x1D000] =	vst v63  }
0x23: {  	_ =	swait.ge [sflag:s11], $0x4000  }
0x24: {  	s20 =	simm.s32 $0x400;
	s19 =	simm.s32 $0x200;
	[sflag:s11] =	ssyncset.done $0x0  }
.LBB2_2:
0x25: {  	s21 =	sshra.s32 s19, $0x2  }
0x26: {  	[sflag:s11] =	ssyncadd.s32 $0xFFFFC000;
	s19 =	smov.u32 s20;
	s22 =	sadd.s32 $0x200, s20  }
0x27: {  	[tilespmem:s15], [sflag:$0x1] =	stream.indirect.gather [hbm4b:s4+s12], $0x80, s21, s12, $0xb8;
	[tilespmem:$0x1D000] =	vst v63  }
0x28: {  	p0 =	sne.s32 s20, $0x9E00;
	_ =	swait.ge [sflag:s16], $0x4000  }
.Ltmp0:
0x29: {  	[sflag:s16] =	ssyncset.done $0x0;
	(pc) =	sbr.rel @p0 .LBB2_2-.Ltmp0, $4  }
0x2a: {  	s20 =	sadd.s32 $0x2800, s21;
	[sflag:s16] =	ssyncadd.s32 $0xFFFFC000  }
0x2b: {  	[spmem:s2] =	stream.indirect.scatter.add.f32 [tilespmem:s15], [sflag:$0x2], $0x80, s20, s12, $0xb8;
	[tilespmem:$0x1D000] =	vst v63  }
0x2c: {  	_ =	swait.ge [sflag:s11], $0x4000  }
0x2d: {  	s20 =	smov.u32 s22;
	[sflag:s11] =	ssyncset.done $0x0  }
0x2e: {  	s19 =	sshra.s32 s19, $0x2;
	[sflag:s11] =	ssyncadd.s32 $0xFFFFC000  }
0x2f: {  	[tilespmem:s15], [sflag:$0x1] =	stream.indirect.gather [hbm4b:s4+s12], $0x80, s19, s12, $0xb8;
	[tilespmem:$0x1D000] =	vst v63  }
0x30: {  	_ =	swait.ge [sflag:s16], $0x4000  }
0x31: {  	[sflag:s16] =	ssyncset.done $0x0  }
0x32: {  	s19 =	sadd.s32 $0x2800, s19;
	[sflag:s16] =	ssyncadd.s32 $0xFFFFC000  }
0x33: {  	[spmem:s2] =	stream.indirect.scatter.add.f32 [tilespmem:s15], [sflag:$0x2], $0x80, s19, s12, $0xb8;
	[tilespmem:$0x1D000] =	vst v63  }
0x34: {  	_ =	swait.ge [sflag:s11], $0x4000  }
0x35: {  	s18 =	sadd.s32 $0x1, s18;
	[sflag:s11] =	ssyncset.done $0x0  }
0x36: {  	p0 =	sne.s32 s18, s9;
	[sflag:s11] =	ssyncadd.s32 $0xFFFFC000  }
.Ltmp1:
0x37: {  	[bflag:$0x0] =	sbarrier.arrive $0xFFFF;
	(pc) =	sbr.rel @p0 .LBB2_1-.Ltmp1, $4  }
0x38: {  	[hbm:s17], [sflag:s6] =	dma.local [spmem:s10], $0x2800  }
0x39: {  	_ =	swait.ge [sflag:s11], $0x2800  }
0x3a: {  	[sflag:s11] =	ssyncset.done $0x0  }
0x3b: {  	[sflag:s11] =	ssyncadd.s32 $0xFFFFD800  }
0x3c: {  	_ =	sfence.sel $0x180000  }
0x3d: {  	[bflag:$0x0] =	sbarrier.arrive $0xFFFF  }
0x3e: {  	p0 =	sne.s32 s0, $0x0;
	_ =	strace $0x90000047  }
0x3f: {  	s0 =	sadd.s32 @!p0 $0x100000, s1;
	[bflag:$0x2] =	sbarrier.arrive $0xFFFF  }
0x40: {  	[sflag:s0] =	ssyncadd.tile.s32 @!p0 $0x1;
	_ =	shalt  }
.Lfunc_end2:
_tile_overlayer_lowered:
.L_overlay_start_2:
0x41: {  	(tag) =	ssettag $0x2  }
0x42: {  	s0 =	rddreg [dreg:$0x0];
	s2 =	stileid.u32  }
0x43: {  	s1 =	rddreg [dreg:$0x1];
	p0 =	sne.s32 s2, $0x0  }
0x44: {  	s3 =	rddreg [dreg:$0x2];
	[bflag:$0x3] =	sbarrier.arrive $0xFFFF;
	s2 =	simm.s32 @!p0 $0x1C02  }
0x45: {  	[timem:s3], [sflag:s2] =	dma.local @!p0 [hbm:s0], s1  }
0x46: {  	s0 =	simm.s32 @!p0 $0x2  }
0x47: {  	_ =	swait.ge @!p0 [sflag:s0], s1  }
0x48: {  	s1 =	ssub.s32 @!p0 $0x0, s1;
	[sflag:s0] =	ssyncset.done @!p0 $0x0  }
0x49: {  	[sflag:s0] =	ssyncadd.s32 @!p0 s1  }
0x4a: {  	[bflag:$0x3] =	sbarrier.arrive $0xFFFF  }
0x4b: {  	_ =	shalt  }

// kernel: kernel.15.cloned.1.call-start
scs
__scs_entry_jumppad:
0x0: {  	(pc) =	sbr.rel $0x88, $3  }
0x1: {  	(tag) =	ssettag $0x0;
	lr =	simm.s32 $0x1  }
0x2: {  	[smem:$0x3F90] =	sst lr;
	_ =	strace $0xD0000000  }
0x3: {  	_ = 	snop  }
0x4: {  	_ = 	snop  }
0x5: {  	_ = 	snop  }
0x6: {  	_ = 	snop  }
0x7: {  	_ = 	snop  }
__scs_overlays_trampoline_lowered:
0x8: {  	[smem:$0x3F9F] =	sst s0  }
0x9: {  	[smem:$0x3FA0] =	sst s1  }
0xa: {  	[smem:$0x3FA1] =	sst s2  }
0xb: {  	[smem:$0x3FA2] =	sst s3  }
0xc: {  	[smem:$0x3FA3] =	sst s4  }
0xd: {  	[smem:$0x3FA4] =	sst s5  }
0xe: {  	[smem:$0x3FA5] =	sst s6  }
0xf: {  	[smem:$0x3FA6] =	sst s7  }
0x10: {  	[smem:$0x3FA7] =	sst s8  }
0x11: {  	[smem:$0x3FA8] =	sst s9;
	s0 =	simm.s32 @!p0 $0x0  }
0x12: {  	s1 =	sld [smem:$0x3F8E];
	s0 =	simm.s32 @p0 $0x1  }
0x13: {  	[smem:$0x3FA9] =	sst s0;
	s0 =	simm.s32 @!p1 $0x0  }
0x14: {  	s2 =	sld [smem:$0x3F8D];
	s0 =	simm.s32 @p1 $0x1  }
0x15: {  	[smem:$0x3FAA] =	sst s0;
	s0 =	simm.s32 @!p2 $0x0  }
0x16: {  	s3 =	sld [smem:$0x3FDB];
	s0 =	simm.s32 @p2 $0x1  }
0x17: {  	s4 =	simm.s32 $0x1BF5;
	[smem:$0x3FAC] =	sst s0  }
0x18: {  	s0 =	sld [smem:$0x3F8F];
	_ =	swait.ge [sflag:s4], $0x0  }
0x19: {  	s7 =	sld [smem:$0x3F90]  }
0x1a: {  	s8 =	sadd.s32 $0xFFFFE003, lr  }
0x1b: {  	s9 =	sadd.s32 $0xFFFFFEF7, lr;
	s5 =	simm.s32 $0xFFFFFFFF;
	p2 =	slt.u32 s8, $0xFFFFF086  }
0x1c: {  	p1 =	slt.u32 s9, $0xF7A;
	s5 =	simm.s32 @!p2 $0x0  }
0x1d: {  	s5 =	simm.s32 @p1 $0x1;
	p0 =	seq.s32 s7, s2  }
0x1e: {  	s7 =	smul.u32 @!p0 $0xF7A, s2;
	p2 =	seq.s32 @!p0 s5, $0x0  }
0x1f: {  	s9 =	smul.u32 $0xF7A, s1;
	s8 =	simm.s32 @!p0 $0x1BF5;
	p2 =	por !p2, p0  }
0x20: {  	[sflag:s8] =	ssyncset.s32 @!p0 $0xFFFFF086;
	s6 =	sadd.s32 @!p0 s3, s7;
	s7 =	simm.s32 @!p0 $0x108  }
0x21: {  	s3 =	sadd.s32 s3, s9;
	s6 =	sadd.s32 @!p0 $0x88, s6;
	s7 =	simm.s32 @p2 $0x1082  }
0x22: {  	[simem:s7], [sflag:s8] =	dma.local @!p0 [hbm:s6], $0xF7A  }
0x23: {  	s9 =	sor.u32 $0xD0000000, s2;
	s6 =	simm.s32 $0x108;
	_ =	swait.ge @!p0 [sflag:s8], $0x0  }
0x24: {  	s3 =	sadd.s32 $0x88, s3;
	s6 =	simm.s32 @!p1 $0x1082;
	[sflag:s4] =	ssyncset.s32 $0xFFFFF086  }
0x25: {  	[simem:s6], [sflag:s4] =	dma.local [hbm:s3], $0xF7A  }
0x26: {  	[smem:$0x3F90] =	sst s1;
	(tag) =	ssettag s2;
	_ =	strace s9  }
0x27: {  	s1 =	sld [smem:$0x3FA0]  }
0x28: {  	s2 =	sld [smem:$0x3FA1]  }
0x29: {  	s4 =	sld [smem:$0x3FA3]  }
0x2a: {  	p0 =	seq.s32 s5, $0x0;
	s5 =	sld [smem:$0x3FA4]  }
0x2b: {  	s6 =	sld [smem:$0x3FA5]  }
0x2c: {  	s7 =	sld [smem:$0x3FA6]  }
0x2d: {  	s3 =	simm.s32 $0x108;
	s8 =	sld [smem:$0x3FA7]  }
0x2e: {  	s3 =	simm.s32 @!p0 $0x1082;
	s9 =	sld [smem:$0x3FA8]  }
0x2f: {  	lr =	sadd.s32 s0, s3;
	s0 =	sld [smem:$0x3F9F]  }
0x30: {  	s3 =	sld [smem:$0x3FA2]  }
0x31: {  	[smem:$0x3FAB] =	sst s10  }
0x32: {  	s10 =	sld [smem:$0x3FA9];
	_ =	sdelay $0x3  }
0x33: {  	p0 =	seq.s32 s10, $0x1;
	s10 =	sld [smem:$0x3FAB];
	_ =	sdelay $0x3  }
0x34: {  	[smem:$0x3FAB] =	sst s10  }
0x35: {  	s10 =	sld [smem:$0x3FAA];
	_ =	sdelay $0x3  }
0x36: {  	p1 =	seq.s32 s10, $0x1;
	s10 =	sld [smem:$0x3FAB];
	_ =	sdelay $0x3  }
0x37: {  	[smem:$0x3FAB] =	sst s10  }
0x38: {  	s10 =	sld [smem:$0x3FAC]  }
0x39: {  	_ = 	snop;
	(pc) =	sbr.ind lr, $3  }
0x3a: {  	_ = 	snop  }
0x3b: {  	_ = 	snop  }
0x3c: {  	p2 =	seq.s32 s10, $0x1;
	s10 =	sld [smem:$0x3FAB]  }
0x3d: {  	_ =	shalt  }
0x3e: {  	_ =	shalt  }
0x3f: {  	_ =	shalt  }
0x40: {  	_ =	shalt  }
0x41: {  	_ =	shalt  }
0x42: {  	_ =	shalt  }
0x43: {  	_ =	shalt  }
0x44: {  	_ =	shalt  }
0x45: {  	_ =	shalt  }
0x46: {  	_ =	shalt  }
0x47: {  	_ =	shalt  }
0x48: {  	_ =	shalt  }
0x49: {  	_ =	shalt  }
0x4a: {  	_ =	shalt  }
0x4b: {  	_ =	shalt  }
0x4c: {  	_ =	shalt  }
0x4d: {  	_ =	shalt  }
0x4e: {  	_ =	shalt  }
0x4f: {  	_ =	shalt  }
0x50: {  	_ =	shalt  }
0x51: {  	_ =	shalt  }
0x52: {  	_ =	shalt  }
0x53: {  	_ =	shalt  }
0x54: {  	_ =	shalt  }
0x55: {  	_ =	shalt  }
0x56: {  	_ =	shalt  }
0x57: {  	_ =	shalt  }
0x58: {  	_ =	shalt  }
0x59: {  	_ =	shalt  }
0x5a: {  	_ =	shalt  }
0x5b: {  	_ =	shalt  }
0x5c: {  	_ =	shalt  }
0x5d: {  	_ =	shalt  }
0x5e: {  	_ =	shalt  }
0x5f: {  	_ =	shalt  }
0x60: {  	_ =	shalt  }
0x61: {  	_ =	shalt  }
0x62: {  	_ =	shalt  }
0x63: {  	_ =	shalt  }
0x64: {  	_ =	shalt  }
0x65: {  	_ =	shalt  }
0x66: {  	_ =	shalt  }
0x67: {  	_ =	shalt  }
0x68: {  	_ =	shalt  }
0x69: {  	_ =	shalt  }
0x6a: {  	_ =	shalt  }
0x6b: {  	_ =	shalt  }
0x6c: {  	_ =	shalt  }
0x6d: {  	_ =	shalt  }
0x6e: {  	_ =	shalt  }
0x6f: {  	_ =	shalt  }
0x70: {  	_ =	shalt  }
0x71: {  	_ =	shalt  }
0x72: {  	_ =	shalt  }
0x73: {  	_ =	shalt  }
0x74: {  	_ =	shalt  }
0x75: {  	_ =	shalt  }
0x76: {  	_ =	shalt  }
0x77: {  	_ =	shalt  }
0x78: {  	_ =	shalt  }
0x79: {  	_ =	shalt  }
0x7a: {  	_ =	shalt  }
0x7b: {  	_ =	shalt  }
0x7c: {  	_ =	shalt  }
0x7d: {  	_ =	shalt  }
0x7e: {  	_ =	shalt  }
0x7f: {  	_ =	shalt  }
0x80: {  	_ =	shalt  }
0x81: {  	_ =	shalt  }
0x82: {  	_ =	shalt  }
0x83: {  	_ =	shalt  }
0x84: {  	_ =	shalt  }
0x85: {  	_ =	shalt  }
0x86: {  	_ =	shalt  }
0x87: {  	_ =	shalt  }
.Lfunc_end0:
.L_simem_size_0:
called_computation.1_lowered:
.L_overlay_start_0:
0x88: {  	s2 =	sld [smem:$0x3FD9]  }
0x89: {  	s3 =	sld [smem:$0x3FFE];
	_ =	sdelay $0x1  }
0x8a: {  	s1 =	srdreg.scid  }
0x8b: {  	s0 =	sand.u32 $0x1, s1  }
0x8c: {  	s16 =	sshll.u32 s0, $0xA;
	s2 =	sadd.s32 s3, s2  }
0x8d: {  	s2 =	sadd.s32 s2, s16  }
0x8e: {  	[smem:$0x3FB7] =	sst s2  }
0x8f: {  	_ = 	snop  }
0x90: {  	(tm) =	ssettm $0x1  }
0x91: {  	s17 =	sld [smem:$0x3FFB];
	_ =	sdelay $0x3  }
0x92: {  	_ =	strace s17  }
0x93: {  	s2 =	sld [smem:$0x3FFC];
	_ =	sdelay $0x3  }
0x94: {  	_ =	strace s2  }
0x95: {  	s2 =	sld [smem:$0x3FFD];
	_ =	sdelay $0x3  }
0x96: {  	_ =	strace s2  }
0x97: {  	_ =	strace $0x8FFFFFFF  }
0x98: {  	s18 =	sld [smem:$0x3FDB];
	_ =	sdelay $0x1  }
0x99: {  	s19 =	simm.s32 $_scs_section_size  }
0x9a: {  	s4 =	simm.s32 $_size__tile_overlayer_lowered;
	s5 =	simm.s32 $_tile_overlayer_lowered  }
0x9b: {  	s22 =	simm.s32 $0x1BFF;
	s21 =	sshll.u32 s5, $0x1;
	s2 =	sadd.s32 s19, s18  }
0x9c: {  	s6 =	simm.s32 $0x0;
	s20 =	sshll.u32 s4, $0x1;
	s4 =	sadd.s32 s21, s2  }
0x9d: {  	[timem:s6], [sflag:s22] =	dma.local [hbm:s4], s20  }
0x9e: {  	_ =	swait.ge [sflag:s22], s20  }
0x9f: {  	s3 =	ssub.s32 $0x0, s20;
	[sflag:s22] =	ssyncset.done $0x0  }
0xa0: {  	[sflag:s22] =	ssyncadd.s32 s3;
	_ =	sdelay $0x1  }
0xa1: {  	s23 =	simm.s32 $0x1B8B  }
0xa2: {  	_ =	swait.ge [sflag:s23], $0x1  }
0xa3: {  	[sflag:s23] =	ssyncset.done $0x0  }
0xa4: {  	s25 =	simm.s32 $0x1B8E;
	s24 =	sld [smem:$0x3FFE];
	[sflag:s23] =	ssyncadd.s32 $0xFFFFFFFF  }
0xa5: {  	s26 =	simm.s32 $execute0_lowered;
	[smem:$0x3FD2] =	sst s25  }
0xa6: {  	s4 =	sshll.u32 s26, $0x1;
	_ =	strace $0x80000049;
	[dreg:$0x1] =	wrdreg $0xFFFFFFFF  }
0xa7: {  	s28 =	simm.s32 $_size_execute0_lowered;
	s2 =	sadd.s32 s2, s4;
	[dreg:$0x0] =	wrdreg $0x0  }
0xa8: {  	s4 =	sshll.u32 s28, $0x1;
	[dreg:$0x2] =	wrdreg s2  }
0xa9: {  	[dreg:$0x3] =	wrdreg s4  }
0xaa: {  	[dreg:$0x4] =	wrdreg $0xC0  }
0xab: {  	_ =	task [dreg:s6], $0x5FFFF  }
0xac: {  	[dreg:$0x1] =	wrdreg $0xFFFFFFFF  }
0xad: {  	[dreg:$0x0] =	wrdreg $0x60  }
0xae: {  	[dreg:$0x2] =	wrdreg s24  }
0xaf: {  	[dreg:$0x3] =	wrdreg $0x90000  }
0xb0: {  	[dreg:$0x4] =	wrdreg $0x9  }
0xb1: {  	_ =	task.clear_ibuf [dreg:s6], $0x5FFFF;
	_ =	strace $0x90000049  }
0xb2: {  	s29 =	simm.s32 $0x9;
	_ =	strace $0x8000004B  }
0xb3: {  	_ =	swait.ge [sflag:s29], $0x1  }
0xb4: {  	[sflag:s29] =	ssyncadd.s32 $0xFFFFFFFF  }
0xb5: {  	_ =	strace $0x9000004B  }
0xb6: {  	_ =	sfence  }
0xb7: {  	s30 =	sld [smem:$0x0];
	_ =	sdelay $0x2  }
0xb8: {  	s31 =	sshll.u32 s1, $0xD;
	s1 =	sshrl.u32 s1, $0x2  }
0xb9: {  	s3 =	sand.u32 $0x4000, s31;
	s1 =	sadd.s32 s1, s30  }
0xba: {  	s0 =	sor.u32 s3, s0;
	s1 =	sshll.u32 s1, $0x11  }
0xbb: {  	s0 =	sor.u32 s1, s0  }
0xbc: {  	s0 =	sadd.s32 $0x8F2B, s0  }
0xbd: {  	[sflag:s0] =	ssyncadd.remote.s32 $0x1  }
0xbe: {  	_ =	sfence.sel $0xFFFF  }
0xbf: {  	[dreg:$0x0] =	wrdreg $0xFFFFFFFF;
	(pc) =	sbr.abs _section_cstart, $3  }
0xc0: {  	[dreg:$0x1] =	wrdreg $0xFFFFFFFF  }
0xc1: {  	_ =	task.clear_ibuf [dreg:s6], $0x2FFFF;
	_ =	strace $0x9FFFFFFF  }
0xc2: {  	(tm) =	ssettm $0x7FFFFFFF  }
0xc3: {  	_ =	shalt  }
tec
execute0_lowered:
.L_overlay_start_1:
0x0: {  	(tag) =	ssettag $0x1  }
0x1: {  	s1 =	srdreg.scid;
	s5 =	rddreg [dreg:$0x0]  }
0x2: {  	s0 =	stileid.u32;
	s2 =	rddreg [dreg:$0x1];
	s14 =	simm.s32 $0x2800  }
0x3: {  	s15 =	simm.s32 $0x5000;
	s16 =	simm.s32 $0x1;
	s6 =	sand.u32 $0x1, s1  }
0x4: {  	s25 =	sshll.u32 s0, $0x1;
	s3 =	sshrl.u32 s0, $0x2;
	s17 =	smul.u32 $0x2800, s0  }
0x5: {  	s1 =	rddreg [dreg:$0x2];
	s10 =	smul.u32 $0x50000, s0;
	s31 =	sshll.u32 s0, $0x6  }
0x6: {  	s4 =	sor.u32 s6, s25;
	s7 =	smul.u32 $0x14000, s3;
	s3 =	simm.s32 $0x0  }
0x7: {  	s26 =	smul.u32 $0x28000, s6;
	s6 =	ssub.s32 $0x2, s6;
	s8 =	sshll.u32 s4, $0x7  }
0x8: {  	s4 =	smul.u32 $0x500, s4;
	[smem:$0x7FF] =	sst s3;
	s11 =	sadd.s32 s17, s5  }
0x9: {  	s28 =	sshrl.u32 s6, $0x1;
	s29 =	sshrl.u32 s10, $0x2;
	s8 =	sand.u32 $0x380, s8  }
0xa: {  	_ =	strace $0x8000004A;
	s12 =	sadd.s32 s26, s5;
	s30 =	ssub.s32 s6, s28  }
0xb: {  	s13 =	sadd.s32 s29, s2;
	s6 =	sor.u32 $0x1C02, s31;
	s7 =	sor.u32 s7, s8  }
0xc: {  	s9 =	sadd.s32 s4, s5;
	s4 =	sadd.s32 $0x17E00, s5;
	s18 =	sadd.s32 $0x67E00, s12  }
0xd: {  	s10 =	sshrl.u32 s13, $0x3;
	s12 =	simm.s32 $0x80;
	s13 =	simm.s32 $0x400  }
0xe: {  	s7 =	sshrl.u32 s7, $0x3;
	s8 =	sadd.s32 $0xDE00, s9;
	s9 =	smax.u32 s30, $0x1  }
0xf: {  	s17 =	sadd.s32 s17, s18;
	s18 =	simm.s32 $0x0;
	s7 =	sadd.s32 s7, s5  }
0x10: {  	s5 =	sadd.s32 $0x3FE00, s11;
	s11 =	simm.s32 $0x2;
	s7 =	sadd.s32 $0x3E00, s7  }
.LBB2_1:
0x11: {  	[spmem:s10], [sflag:s6] =	dma.local [hbm:s5], $0x2800  }
0x12: {  	_ =	swait.ge [sflag:s11], $0x2800  }
0x13: {  	[sflag:s11] =	ssyncset.done $0x0  }
0x14: {  	[sflag:s11] =	ssyncadd.s32 $0xFFFFD800  }
0x15: {  	[tilespmem:s3], [sflag:$0x2] =	stream.strided.gather [hbm4b:s7+s12], $0x2800, s13, s12, $0x38;
	[tilespmem:$0x1D000] =	vst v63  }
0x16: {  	_ =	swait.ge [sflag:s11], $0x2800  }
0x17: {  	[sflag:s11] =	ssyncset.done $0x0  }
0x18: {  	[sflag:s11] =	ssyncadd.s32 $0xFFFFD800  }
0x19: {  	[tilespmem:s14], [sflag:$0x2] =	stream.linear.gather [hbm4b:s8+s3], $0x2800, $0x38;
	[tilespmem:$0x1D000] =	vst v63  }
0x1a: {  	_ =	swait.ge [sflag:s11], $0x2800  }
0x1b: {  	[sflag:s11] =	ssyncset.done $0x0  }
0x1c: {  	[sflag:s11] =	ssyncadd.s32 $0xFFFFD800  }
0x1d: {  	s19 =	simm.s32 $0x0;
	[bflag:$0x0] =	sbarrier.arrive $0xFFFF  }
0x1e: {  	[tilespmem:s15], [sflag:$0x1] =	stream.indirect.gather [hbm4b:s4+s12], $0x80, s19, s12, $0xb8;
	[tilespmem:$0x1D000] =	vst v63  }
0x1f: {  	_ =	swait.ge [sflag:s16], $0x4000  }
0x20: {  	[sflag:s16] =	ssyncset.done $0x0  }
0x21: {  	s31 =	simm.s32 $0x2800;
	[sflag:s16] =	ssyncadd.s32 $0xFFFFC000  }
0x22: {  	[spmem:s2] =	stream.indirect.scatter.add.f32 [tilespmem:s15], [sflag:$0x2], $0x80, s31, s12, $0xb8;
	[tilespmem:$0x1D000] =	vst v63  }
0x23: {  	_ =	swait.ge [sflag:s11], $0x4000  }
0x24: {  	s20 =	simm.s32 $0x400;
	s19 =	simm.s32 $0x200;
	[sflag:s11] =	ssyncset.done $0x0  }
.LBB2_2:
0x25: {  	s21 =	sshra.s32 s19, $0x2  }
0x26: {  	[sflag:s11] =	ssyncadd.s32 $0xFFFFC000;
	s19 =	smov.u32 s20;
	s22 =	sadd.s32 $0x200, s20  }
0x27: {  	[tilespmem:s15], [sflag:$0x1] =	stream.indirect.gather [hbm4b:s4+s12], $0x80, s21, s12, $0xb8;
	[tilespmem:$0x1D000] =	vst v63  }
0x28: {  	p0 =	sne.s32 s20, $0x9E00;
	_ =	swait.ge [sflag:s16], $0x4000  }
.Ltmp0:
0x29: {  	[sflag:s16] =	ssyncset.done $0x0;
	(pc) =	sbr.rel @p0 .LBB2_2-.Ltmp0, $4  }
0x2a: {  	s20 =	sadd.s32 $0x2800, s21;
	[sflag:s16] =	ssyncadd.s32 $0xFFFFC000  }
0x2b: {  	[spmem:s2] =	stream.indirect.scatter.add.f32 [tilespmem:s15], [sflag:$0x2], $0x80, s20, s12, $0xb8;
	[tilespmem:$0x1D000] =	vst v63  }
0x2c: {  	_ =	swait.ge [sflag:s11], $0x4000  }
0x2d: {  	s20 =	smov.u32 s22;
	[sflag:s11] =	ssyncset.done $0x0  }
0x2e: {  	s19 =	sshra.s32 s19, $0x2;
	[sflag:s11] =	ssyncadd.s32 $0xFFFFC000  }
0x2f: {  	[tilespmem:s15], [sflag:$0x1] =	stream.indirect.gather [hbm4b:s4+s12], $0x80, s19, s12, $0xb8;
	[tilespmem:$0x1D000] =	vst v63  }
0x30: {  	_ =	swait.ge [sflag:s16], $0x4000  }
0x31: {  	[sflag:s16] =	ssyncset.done $0x0  }
0x32: {  	s19 =	sadd.s32 $0x2800, s19;
	[sflag:s16] =	ssyncadd.s32 $0xFFFFC000  }
0x33: {  	[spmem:s2] =	stream.indirect.scatter.add.f32 [tilespmem:s15], [sflag:$0x2], $0x80, s19, s12, $0xb8;
	[tilespmem:$0x1D000] =	vst v63  }
0x34: {  	_ =	swait.ge [sflag:s11], $0x4000  }
0x35: {  	s18 =	sadd.s32 $0x1, s18;
	[sflag:s11] =	ssyncset.done $0x0  }
0x36: {  	p0 =	sne.s32 s18, s9;
	[sflag:s11] =	ssyncadd.s32 $0xFFFFC000  }
.Ltmp1:
0x37: {  	[bflag:$0x0] =	sbarrier.arrive $0xFFFF;
	(pc) =	sbr.rel @p0 .LBB2_1-.Ltmp1, $4  }
0x38: {  	[hbm:s17], [sflag:s6] =	dma.local [spmem:s10], $0x2800  }
0x39: {  	_ =	swait.ge [sflag:s11], $0x2800  }
0x3a: {  	[sflag:s11] =	ssyncset.done $0x0  }
0x3b: {  	[sflag:s11] =	ssyncadd.s32 $0xFFFFD800  }
0x3c: {  	_ =	sfence.sel $0x180000  }
0x3d: {  	[bflag:$0x0] =	sbarrier.arrive $0xFFFF  }
0x3e: {  	p0 =	sne.s32 s0, $0x0;
	_ =	strace $0x9000004A  }
0x3f: {  	s0 =	sadd.s32 @!p0 $0x100000, s1;
	[bflag:$0x2] =	sbarrier.arrive $0xFFFF  }
0x40: {  	[sflag:s0] =	ssyncadd.tile.s32 @!p0 $0x1;
	_ =	shalt  }
.Lfunc_end2:
_tile_overlayer_lowered:
.L_overlay_start_2:
0x41: {  	(tag) =	ssettag $0x2  }
0x42: {  	s0 =	rddreg [dreg:$0x0];
	s2 =	stileid.u32  }
0x43: {  	s1 =	rddreg [dreg:$0x1];
	p0 =	sne.s32 s2, $0x0  }
0x44: {  	s3 =	rddreg [dreg:$0x2];
	[bflag:$0x3] =	sbarrier.arrive $0xFFFF;
	s2 =	simm.s32 @!p0 $0x1C02  }
0x45: {  	[timem:s3], [sflag:s2] =	dma.local @!p0 [hbm:s0], s1  }
0x46: {  	s0 =	simm.s32 @!p0 $0x2  }
0x47: {  	_ =	swait.ge @!p0 [sflag:s0], s1  }
0x48: {  	s1 =	ssub.s32 @!p0 $0x0, s1;
	[sflag:s0] =	ssyncset.done @!p0 $0x0  }
0x49: {  	[sflag:s0] =	ssyncadd.s32 @!p0 s1  }
0x4a: {  	[bflag:$0x3] =	sbarrier.arrive $0xFFFF  }
0x4b: {  	_ =	shalt  }

// kernel: kernel.18.cloned.1.call-start
scs
__scs_entry_jumppad:
0x0: {  	(pc) =	sbr.rel $0x88, $3  }
0x1: {  	(tag) =	ssettag $0x0;
	lr =	simm.s32 $0x1  }
0x2: {  	[smem:$0x3F90] =	sst lr;
	_ =	strace $0xD0000000  }
0x3: {  	_ = 	snop  }
0x4: {  	_ = 	snop  }
0x5: {  	_ = 	snop  }
0x6: {  	_ = 	snop  }
0x7: {  	_ = 	snop  }
__scs_overlays_trampoline_lowered:
0x8: {  	[smem:$0x3F9F] =	sst s0  }
0x9: {  	[smem:$0x3FA0] =	sst s1  }
0xa: {  	[smem:$0x3FA1] =	sst s2  }
0xb: {  	[smem:$0x3FA2] =	sst s3  }
0xc: {  	[smem:$0x3FA3] =	sst s4  }
0xd: {  	[smem:$0x3FA4] =	sst s5  }
0xe: {  	[smem:$0x3FA5] =	sst s6  }
0xf: {  	[smem:$0x3FA6] =	sst s7  }
0x10: {  	[smem:$0x3FA7] =	sst s8  }
0x11: {  	[smem:$0x3FA8] =	sst s9;
	s0 =	simm.s32 @!p0 $0x0  }
0x12: {  	s1 =	sld [smem:$0x3F8E];
	s0 =	simm.s32 @p0 $0x1  }
0x13: {  	[smem:$0x3FA9] =	sst s0;
	s0 =	simm.s32 @!p1 $0x0  }
0x14: {  	s2 =	sld [smem:$0x3F8D];
	s0 =	simm.s32 @p1 $0x1  }
0x15: {  	[smem:$0x3FAA] =	sst s0;
	s0 =	simm.s32 @!p2 $0x0  }
0x16: {  	s3 =	sld [smem:$0x3FDB];
	s0 =	simm.s32 @p2 $0x1  }
0x17: {  	s4 =	simm.s32 $0x1BF5;
	[smem:$0x3FAC] =	sst s0  }
0x18: {  	s0 =	sld [smem:$0x3F8F];
	_ =	swait.ge [sflag:s4], $0x0  }
0x19: {  	s7 =	sld [smem:$0x3F90]  }
0x1a: {  	s8 =	sadd.s32 $0xFFFFE003, lr  }
0x1b: {  	s9 =	sadd.s32 $0xFFFFFEF7, lr;
	s5 =	simm.s32 $0xFFFFFFFF;
	p2 =	slt.u32 s8, $0xFFFFF086  }
0x1c: {  	p1 =	slt.u32 s9, $0xF7A;
	s5 =	simm.s32 @!p2 $0x0  }
0x1d: {  	s5 =	simm.s32 @p1 $0x1;
	p0 =	seq.s32 s7, s2  }
0x1e: {  	s7 =	smul.u32 @!p0 $0xF7A, s2;
	p2 =	seq.s32 @!p0 s5, $0x0  }
0x1f: {  	s9 =	smul.u32 $0xF7A, s1;
	s8 =	simm.s32 @!p0 $0x1BF5;
	p2 =	por !p2, p0  }
0x20: {  	[sflag:s8] =	ssyncset.s32 @!p0 $0xFFFFF086;
	s6 =	sadd.s32 @!p0 s3, s7;
	s7 =	simm.s32 @!p0 $0x108  }
0x21: {  	s3 =	sadd.s32 s3, s9;
	s6 =	sadd.s32 @!p0 $0x88, s6;
	s7 =	simm.s32 @p2 $0x1082  }
0x22: {  	[simem:s7], [sflag:s8] =	dma.local @!p0 [hbm:s6], $0xF7A  }
0x23: {  	s9 =	sor.u32 $0xD0000000, s2;
	s6 =	simm.s32 $0x108;
	_ =	swait.ge @!p0 [sflag:s8], $0x0  }
0x24: {  	s3 =	sadd.s32 $0x88, s3;
	s6 =	simm.s32 @!p1 $0x1082;
	[sflag:s4] =	ssyncset.s32 $0xFFFFF086  }
0x25: {  	[simem:s6], [sflag:s4] =	dma.local [hbm:s3], $0xF7A  }
0x26: {  	[smem:$0x3F90] =	sst s1;
	(tag) =	ssettag s2;
	_ =	strace s9  }
0x27: {  	s1 =	sld [smem:$0x3FA0]  }
0x28: {  	s2 =	sld [smem:$0x3FA1]  }
0x29: {  	s4 =	sld [smem:$0x3FA3]  }
0x2a: {  	p0 =	seq.s32 s5, $0x0;
	s5 =	sld [smem:$0x3FA4]  }
0x2b: {  	s6 =	sld [smem:$0x3FA5]  }
0x2c: {  	s7 =	sld [smem:$0x3FA6]  }
0x2d: {  	s3 =	simm.s32 $0x108;
	s8 =	sld [smem:$0x3FA7]  }
0x2e: {  	s3 =	simm.s32 @!p0 $0x1082;
	s9 =	sld [smem:$0x3FA8]  }
0x2f: {  	lr =	sadd.s32 s0, s3;
	s0 =	sld [smem:$0x3F9F]  }
0x30: {  	s3 =	sld [smem:$0x3FA2]  }
0x31: {  	[smem:$0x3FAB] =	sst s10  }
0x32: {  	s10 =	sld [smem:$0x3FA9];
	_ =	sdelay $0x3  }
0x33: {  	p0 =	seq.s32 s10, $0x1;
	s10 =	sld [smem:$0x3FAB];
	_ =	sdelay $0x3  }
0x34: {  	[smem:$0x3FAB] =	sst s10  }
0x35: {  	s10 =	sld [smem:$0x3FAA];
	_ =	sdelay $0x3  }
0x36: {  	p1 =	seq.s32 s10, $0x1;
	s10 =	sld [smem:$0x3FAB];
	_ =	sdelay $0x3  }
0x37: {  	[smem:$0x3FAB] =	sst s10  }
0x38: {  	s10 =	sld [smem:$0x3FAC]  }
0x39: {  	_ = 	snop;
	(pc) =	sbr.ind lr, $3  }
0x3a: {  	_ = 	snop  }
0x3b: {  	_ = 	snop  }
0x3c: {  	p2 =	seq.s32 s10, $0x1;
	s10 =	sld [smem:$0x3FAB]  }
0x3d: {  	_ =	shalt  }
0x3e: {  	_ =	shalt  }
0x3f: {  	_ =	shalt  }
0x40: {  	_ =	shalt  }
0x41: {  	_ =	shalt  }
0x42: {  	_ =	shalt  }
0x43: {  	_ =	shalt  }
0x44: {  	_ =	shalt  }
0x45: {  	_ =	shalt  }
0x46: {  	_ =	shalt  }
0x47: {  	_ =	shalt  }
0x48: {  	_ =	shalt  }
0x49: {  	_ =	shalt  }
0x4a: {  	_ =	shalt  }
0x4b: {  	_ =	shalt  }
0x4c: {  	_ =	shalt  }
0x4d: {  	_ =	shalt  }
0x4e: {  	_ =	shalt  }
0x4f: {  	_ =	shalt  }
0x50: {  	_ =	shalt  }
0x51: {  	_ =	shalt  }
0x52: {  	_ =	shalt  }
0x53: {  	_ =	shalt  }
0x54: {  	_ =	shalt  }
0x55: {  	_ =	shalt  }
0x56: {  	_ =	shalt  }
0x57: {  	_ =	shalt  }
0x58: {  	_ =	shalt  }
0x59: {  	_ =	shalt  }
0x5a: {  	_ =	shalt  }
0x5b: {  	_ =	shalt  }
0x5c: {  	_ =	shalt  }
0x5d: {  	_ =	shalt  }
0x5e: {  	_ =	shalt  }
0x5f: {  	_ =	shalt  }
0x60: {  	_ =	shalt  }
0x61: {  	_ =	shalt  }
0x62: {  	_ =	shalt  }
0x63: {  	_ =	shalt  }
0x64: {  	_ =	shalt  }
0x65: {  	_ =	shalt  }
0x66: {  	_ =	shalt  }
0x67: {  	_ =	shalt  }
0x68: {  	_ =	shalt  }
0x69: {  	_ =	shalt  }
0x6a: {  	_ =	shalt  }
0x6b: {  	_ =	shalt  }
0x6c: {  	_ =	shalt  }
0x6d: {  	_ =	shalt  }
0x6e: {  	_ =	shalt  }
0x6f: {  	_ =	shalt  }
0x70: {  	_ =	shalt  }
0x71: {  	_ =	shalt  }
0x72: {  	_ =	shalt  }
0x73: {  	_ =	shalt  }
0x74: {  	_ =	shalt  }
0x75: {  	_ =	shalt  }
0x76: {  	_ =	shalt  }
0x77: {  	_ =	shalt  }
0x78: {  	_ =	shalt  }
0x79: {  	_ =	shalt  }
0x7a: {  	_ =	shalt  }
0x7b: {  	_ =	shalt  }
0x7c: {  	_ =	shalt  }
0x7d: {  	_ =	shalt  }
0x7e: {  	_ =	shalt  }
0x7f: {  	_ =	shalt  }
0x80: {  	_ =	shalt  }
0x81: {  	_ =	shalt  }
0x82: {  	_ =	shalt  }
0x83: {  	_ =	shalt  }
0x84: {  	_ =	shalt  }
0x85: {  	_ =	shalt  }
0x86: {  	_ =	shalt  }
0x87: {  	_ =	shalt  }
.Lfunc_end0:
.L_simem_size_0:
called_computation.2_lowered:
.L_overlay_start_0:
0x88: {  	s2 =	sld [smem:$0x3FD9]  }
0x89: {  	s3 =	sld [smem:$0x3FFE];
	_ =	sdelay $0x1  }
0x8a: {  	s1 =	srdreg.scid  }
0x8b: {  	s0 =	sand.u32 $0x1, s1  }
0x8c: {  	s16 =	sshll.u32 s0, $0xA;
	s2 =	sadd.s32 s3, s2  }
0x8d: {  	s2 =	sadd.s32 s2, s16  }
0x8e: {  	[smem:$0x3FB7] =	sst s2  }
0x8f: {  	_ = 	snop  }
0x90: {  	(tm) =	ssettm $0x1  }
0x91: {  	s17 =	sld [smem:$0x3FFB];
	_ =	sdelay $0x3  }
0x92: {  	_ =	strace s17  }
0x93: {  	s2 =	sld [smem:$0x3FFC];
	_ =	sdelay $0x3  }
0x94: {  	_ =	strace s2  }
0x95: {  	s2 =	sld [smem:$0x3FFD];
	_ =	sdelay $0x3  }
0x96: {  	_ =	strace s2  }
0x97: {  	_ =	strace $0x8FFFFFFF  }
0x98: {  	s18 =	sld [smem:$0x3FDB];
	_ =	sdelay $0x1  }
0x99: {  	s19 =	simm.s32 $_scs_section_size  }
0x9a: {  	s4 =	simm.s32 $_size__tile_overlayer_lowered;
	s5 =	simm.s32 $_tile_overlayer_lowered  }
0x9b: {  	s22 =	simm.s32 $0x1BFF;
	s21 =	sshll.u32 s5, $0x1;
	s2 =	sadd.s32 s19, s18  }
0x9c: {  	s6 =	simm.s32 $0x0;
	s20 =	sshll.u32 s4, $0x1;
	s4 =	sadd.s32 s21, s2  }
0x9d: {  	[timem:s6], [sflag:s22] =	dma.local [hbm:s4], s20  }
0x9e: {  	_ =	swait.ge [sflag:s22], s20  }
0x9f: {  	s3 =	ssub.s32 $0x0, s20;
	[sflag:s22] =	ssyncset.done $0x0  }
0xa0: {  	[sflag:s22] =	ssyncadd.s32 s3;
	_ =	sdelay $0x1  }
0xa1: {  	s23 =	simm.s32 $0x1B8B  }
0xa2: {  	_ =	swait.ge [sflag:s23], $0x1  }
0xa3: {  	[sflag:s23] =	ssyncset.done $0x0  }
0xa4: {  	s25 =	simm.s32 $0x1B8E;
	s24 =	sld [smem:$0x3FFE];
	[sflag:s23] =	ssyncadd.s32 $0xFFFFFFFF  }
0xa5: {  	s26 =	simm.s32 $execute0_lowered;
	[smem:$0x3FD2] =	sst s25  }
0xa6: {  	s4 =	sshll.u32 s26, $0x1;
	_ =	strace $0x8000004C;
	[dreg:$0x1] =	wrdreg $0xFFFFFFFF  }
0xa7: {  	s28 =	simm.s32 $_size_execute0_lowered;
	s2 =	sadd.s32 s2, s4;
	[dreg:$0x0] =	wrdreg $0x0  }
0xa8: {  	s4 =	sshll.u32 s28, $0x1;
	[dreg:$0x2] =	wrdreg s2  }
0xa9: {  	[dreg:$0x3] =	wrdreg s4  }
0xaa: {  	[dreg:$0x4] =	wrdreg $0xC0  }
0xab: {  	_ =	task [dreg:s6], $0x5FFFF  }
0xac: {  	[dreg:$0x1] =	wrdreg $0xFFFFFFFF  }
0xad: {  	[dreg:$0x0] =	wrdreg $0x60  }
0xae: {  	[dreg:$0x2] =	wrdreg s24  }
0xaf: {  	[dreg:$0x3] =	wrdreg $0x90000  }
0xb0: {  	[dreg:$0x4] =	wrdreg $0x9  }
0xb1: {  	_ =	task.clear_ibuf [dreg:s6], $0x5FFFF;
	_ =	strace $0x9000004C  }
0xb2: {  	s29 =	simm.s32 $0x9;
	_ =	strace $0x8000004E  }
0xb3: {  	_ =	swait.ge [sflag:s29], $0x1  }
0xb4: {  	[sflag:s29] =	ssyncadd.s32 $0xFFFFFFFF  }
0xb5: {  	_ =	strace $0x9000004E  }
0xb6: {  	_ =	sfence  }
0xb7: {  	s30 =	sld [smem:$0x0];
	_ =	sdelay $0x2  }
0xb8: {  	s31 =	sshll.u32 s1, $0xD;
	s1 =	sshrl.u32 s1, $0x2  }
0xb9: {  	s3 =	sand.u32 $0x4000, s31;
	s1 =	sadd.s32 s1, s30  }
0xba: {  	s0 =	sor.u32 s3, s0;
	s1 =	sshll.u32 s1, $0x11  }
0xbb: {  	s0 =	sor.u32 s1, s0  }
0xbc: {  	s0 =	sadd.s32 $0x8F2B, s0  }
0xbd: {  	[sflag:s0] =	ssyncadd.remote.s32 $0x1  }
0xbe: {  	_ =	sfence.sel $0xFFFF  }
0xbf: {  	[dreg:$0x0] =	wrdreg $0xFFFFFFFF;
	(pc) =	sbr.abs _section_cstart, $3  }
0xc0: {  	[dreg:$0x1] =	wrdreg $0xFFFFFFFF  }
0xc1: {  	_ =	task.clear_ibuf [dreg:s6], $0x2FFFF;
	_ =	strace $0x9FFFFFFF  }
0xc2: {  	(tm) =	ssettm $0x7FFFFFFF  }
0xc3: {  	_ =	shalt  }
tec
execute0_lowered:
.L_overlay_start_1:
0x0: {  	(tag) =	ssettag $0x1  }
0x1: {  	s1 =	srdreg.scid;
	s5 =	rddreg [dreg:$0x0]  }
0x2: {  	s0 =	stileid.u32;
	s2 =	rddreg [dreg:$0x1];
	s14 =	simm.s32 $0x2800  }
0x3: {  	s15 =	simm.s32 $0x5000;
	s16 =	simm.s32 $0x1;
	s6 =	sand.u32 $0x1, s1  }
0x4: {  	s25 =	sshll.u32 s0, $0x1;
	s3 =	sshrl.u32 s0, $0x2;
	s17 =	smul.u32 $0x2800, s0  }
0x5: {  	s1 =	rddreg [dreg:$0x2];
	s10 =	smul.u32 $0x50000, s0;
	s31 =	sshll.u32 s0, $0x6  }
0x6: {  	s4 =	sor.u32 s6, s25;
	s7 =	smul.u32 $0x14000, s3;
	s3 =	simm.s32 $0x0  }
0x7: {  	s26 =	smul.u32 $0x28000, s6;
	s6 =	ssub.s32 $0x2, s6;
	s8 =	sshll.u32 s4, $0x7  }
0x8: {  	s4 =	smul.u32 $0x500, s4;
	[smem:$0x7FF] =	sst s3;
	s11 =	sadd.s32 s17, s5  }
0x9: {  	s28 =	sshrl.u32 s6, $0x1;
	s29 =	sshrl.u32 s10, $0x2;
	s8 =	sand.u32 $0x380, s8  }
0xa: {  	_ =	strace $0x8000004D;
	s12 =	sadd.s32 s26, s5;
	s30 =	ssub.s32 s6, s28  }
0xb: {  	s13 =	sadd.s32 s29, s2;
	s6 =	sor.u32 $0x1C02, s31;
	s7 =	sor.u32 s7, s8  }
0xc: {  	s9 =	sadd.s32 s4, s5;
	s4 =	sadd.s32 $0x17E00, s5;
	s18 =	sadd.s32 $0x67E00, s12  }
0xd: {  	s10 =	sshrl.u32 s13, $0x3;
	s12 =	simm.s32 $0x80;
	s13 =	simm.s32 $0x400  }
0xe: {  	s7 =	sshrl.u32 s7, $0x3;
	s8 =	sadd.s32 $0xDE00, s9;
	s9 =	smax.u32 s30, $0x1  }
0xf: {  	s17 =	sadd.s32 s17, s18;
	s18 =	simm.s32 $0x0;
	s7 =	sadd.s32 s7, s5  }
0x10: {  	s5 =	sadd.s32 $0x3FE00, s11;
	s11 =	simm.s32 $0x2;
	s7 =	sadd.s32 $0x3E00, s7  }
.LBB2_1:
0x11: {  	[spmem:s10], [sflag:s6] =	dma.local [hbm:s5], $0x2800  }
0x12: {  	_ =	swait.ge [sflag:s11], $0x2800  }
0x13: {  	[sflag:s11] =	ssyncset.done $0x0  }
0x14: {  	[sflag:s11] =	ssyncadd.s32 $0xFFFFD800  }
0x15: {  	[tilespmem:s3], [sflag:$0x2] =	stream.strided.gather [hbm4b:s7+s12], $0x2800, s13, s12, $0x38;
	[tilespmem:$0x1D000] =	vst v63  }
0x16: {  	_ =	swait.ge [sflag:s11], $0x2800  }
0x17: {  	[sflag:s11] =	ssyncset.done $0x0  }
0x18: {  	[sflag:s11] =	ssyncadd.s32 $0xFFFFD800  }
0x19: {  	[tilespmem:s14], [sflag:$0x2] =	stream.linear.gather [hbm4b:s8+s3], $0x2800, $0x38;
	[tilespmem:$0x1D000] =	vst v63  }
0x1a: {  	_ =	swait.ge [sflag:s11], $0x2800  }
0x1b: {  	[sflag:s11] =	ssyncset.done $0x0  }
0x1c: {  	[sflag:s11] =	ssyncadd.s32 $0xFFFFD800  }
0x1d: {  	s19 =	simm.s32 $0x0;
	[bflag:$0x0] =	sbarrier.arrive $0xFFFF  }
0x1e: {  	[tilespmem:s15], [sflag:$0x1] =	stream.indirect.gather [hbm4b:s4+s12], $0x80, s19, s12, $0xb8;
	[tilespmem:$0x1D000] =	vst v63  }
0x1f: {  	_ =	swait.ge [sflag:s16], $0x4000  }
0x20: {  	[sflag:s16] =	ssyncset.done $0x0  }
0x21: {  	s31 =	simm.s32 $0x2800;
	[sflag:s16] =	ssyncadd.s32 $0xFFFFC000  }
0x22: {  	[spmem:s2] =	stream.indirect.scatter.add.f32 [tilespmem:s15], [sflag:$0x2], $0x80, s31, s12, $0xb8;
	[tilespmem:$0x1D000] =	vst v63  }
0x23: {  	_ =	swait.ge [sflag:s11], $0x4000  }
0x24: {  	s20 =	simm.s32 $0x400;
	s19 =	simm.s32 $0x200;
	[sflag:s11] =	ssyncset.done $0x0  }
.LBB2_2:
0x25: {  	s21 =	sshra.s32 s19, $0x2  }
0x26: {  	[sflag:s11] =	ssyncadd.s32 $0xFFFFC000;
	s19 =	smov.u32 s20;
	s22 =	sadd.s32 $0x200, s20  }
0x27: {  	[tilespmem:s15], [sflag:$0x1] =	stream.indirect.gather [hbm4b:s4+s12], $0x80, s21, s12, $0xb8;
	[tilespmem:$0x1D000] =	vst v63  }
0x28: {  	p0 =	sne.s32 s20, $0x9E00;
	_ =	swait.ge [sflag:s16], $0x4000  }
.Ltmp0:
0x29: {  	[sflag:s16] =	ssyncset.done $0x0;
	(pc) =	sbr.rel @p0 .LBB2_2-.Ltmp0, $4  }
0x2a: {  	s20 =	sadd.s32 $0x2800, s21;
	[sflag:s16] =	ssyncadd.s32 $0xFFFFC000  }
0x2b: {  	[spmem:s2] =	stream.indirect.scatter.add.f32 [tilespmem:s15], [sflag:$0x2], $0x80, s20, s12, $0xb8;
	[tilespmem:$0x1D000] =	vst v63  }
0x2c: {  	_ =	swait.ge [sflag:s11], $0x4000  }
0x2d: {  	s20 =	smov.u32 s22;
	[sflag:s11] =	ssyncset.done $0x0  }
0x2e: {  	s19 =	sshra.s32 s19, $0x2;
	[sflag:s11] =	ssyncadd.s32 $0xFFFFC000  }
0x2f: {  	[tilespmem:s15], [sflag:$0x1] =	stream.indirect.gather [hbm4b:s4+s12], $0x80, s19, s12, $0xb8;
	[tilespmem:$0x1D000] =	vst v63  }
0x30: {  	_ =	swait.ge [sflag:s16], $0x4000  }
0x31: {  	[sflag:s16] =	ssyncset.done $0x0  }
0x32: {  	s19 =	sadd.s32 $0x2800, s19;
	[sflag:s16] =	ssyncadd.s32 $0xFFFFC000  }
0x33: {  	[spmem:s2] =	stream.indirect.scatter.add.f32 [tilespmem:s15], [sflag:$0x2], $0x80, s19, s12, $0xb8;
	[tilespmem:$0x1D000] =	vst v63  }
0x34: {  	_ =	swait.ge [sflag:s11], $0x4000  }
0x35: {  	s18 =	sadd.s32 $0x1, s18;
	[sflag:s11] =	ssyncset.done $0x0  }
0x36: {  	p0 =	sne.s32 s18, s9;
	[sflag:s11] =	ssyncadd.s32 $0xFFFFC000  }
.Ltmp1:
0x37: {  	[bflag:$0x0] =	sbarrier.arrive $0xFFFF;
	(pc) =	sbr.rel @p0 .LBB2_1-.Ltmp1, $4  }
0x38: {  	[hbm:s17], [sflag:s6] =	dma.local [spmem:s10], $0x2800  }
0x39: {  	_ =	swait.ge [sflag:s11], $0x2800  }
0x3a: {  	[sflag:s11] =	ssyncset.done $0x0  }
0x3b: {  	[sflag:s11] =	ssyncadd.s32 $0xFFFFD800  }
0x3c: {  	_ =	sfence.sel $0x180000  }
0x3d: {  	[bflag:$0x0] =	sbarrier.arrive $0xFFFF  }
0x3e: {  	p0 =	sne.s32 s0, $0x0;
	_ =	strace $0x9000004D  }
0x3f: {  	s0 =	sadd.s32 @!p0 $0x100000, s1;
	[bflag:$0x2] =	sbarrier.arrive $0xFFFF  }
0x40: {  	[sflag:s0] =	ssyncadd.tile.s32 @!p0 $0x1;
	_ =	shalt  }
.Lfunc_end2:
_tile_overlayer_lowered:
.L_overlay_start_2:
0x41: {  	(tag) =	ssettag $0x2  }
0x42: {  	s0 =	rddreg [dreg:$0x0];
	s2 =	stileid.u32  }
0x43: {  	s1 =	rddreg [dreg:$0x1];
	p0 =	sne.s32 s2, $0x0  }
0x44: {  	s3 =	rddreg [dreg:$0x2];
	[bflag:$0x3] =	sbarrier.arrive $0xFFFF;
	s2 =	simm.s32 @!p0 $0x1C02  }
0x45: {  	[timem:s3], [sflag:s2] =	dma.local @!p0 [hbm:s0], s1  }
0x46: {  	s0 =	simm.s32 @!p0 $0x2  }
0x47: {  	_ =	swait.ge @!p0 [sflag:s0], s1  }
0x48: {  	s1 =	ssub.s32 @!p0 $0x0, s1;
	[sflag:s0] =	ssyncset.done @!p0 $0x0  }
0x49: {  	[sflag:s0] =	ssyncadd.s32 @!p0 s1  }
0x4a: {  	[bflag:$0x3] =	sbarrier.arrive $0xFFFF  }
0x4b: {  	_ =	shalt  }

// kernel: kernel.21.cloned.1.call-start
scs
__scs_entry_jumppad:
0x0: {  	(pc) =	sbr.rel $0x88, $3  }
0x1: {  	(tag) =	ssettag $0x0;
	lr =	simm.s32 $0x1  }
0x2: {  	[smem:$0x3F90] =	sst lr;
	_ =	strace $0xD0000000  }
0x3: {  	_ = 	snop  }
0x4: {  	_ = 	snop  }
0x5: {  	_ = 	snop  }
0x6: {  	_ = 	snop  }
0x7: {  	_ = 	snop  }
__scs_overlays_trampoline_lowered:
0x8: {  	[smem:$0x3F9F] =	sst s0  }
0x9: {  	[smem:$0x3FA0] =	sst s1  }
0xa: {  	[smem:$0x3FA1] =	sst s2  }
0xb: {  	[smem:$0x3FA2] =	sst s3  }
0xc: {  	[smem:$0x3FA3] =	sst s4  }
0xd: {  	[smem:$0x3FA4] =	sst s5  }
0xe: {  	[smem:$0x3FA5] =	sst s6  }
0xf: {  	[smem:$0x3FA6] =	sst s7  }
0x10: {  	[smem:$0x3FA7] =	sst s8  }
0x11: {  	[smem:$0x3FA8] =	sst s9;
	s0 =	simm.s32 @!p0 $0x0  }
0x12: {  	s1 =	sld [smem:$0x3F8E];
	s0 =	simm.s32 @p0 $0x1  }
0x13: {  	[smem:$0x3FA9] =	sst s0;
	s0 =	simm.s32 @!p1 $0x0  }
0x14: {  	s2 =	sld [smem:$0x3F8D];
	s0 =	simm.s32 @p1 $0x1  }
0x15: {  	[smem:$0x3FAA] =	sst s0;
	s0 =	simm.s32 @!p2 $0x0  }
0x16: {  	s3 =	sld [smem:$0x3FDB];
	s0 =	simm.s32 @p2 $0x1  }
0x17: {  	s4 =	simm.s32 $0x1BF5;
	[smem:$0x3FAC] =	sst s0  }
0x18: {  	s0 =	sld [smem:$0x3F8F];
	_ =	swait.ge [sflag:s4], $0x0  }
0x19: {  	s7 =	sld [smem:$0x3F90]  }
0x1a: {  	s8 =	sadd.s32 $0xFFFFE003, lr  }
0x1b: {  	s9 =	sadd.s32 $0xFFFFFEF7, lr;
	s5 =	simm.s32 $0xFFFFFFFF;
	p2 =	slt.u32 s8, $0xFFFFF086  }
0x1c: {  	p1 =	slt.u32 s9, $0xF7A;
	s5 =	simm.s32 @!p2 $0x0  }
0x1d: {  	s5 =	simm.s32 @p1 $0x1;
	p0 =	seq.s32 s7, s2  }
0x1e: {  	s7 =	smul.u32 @!p0 $0xF7A, s2;
	p2 =	seq.s32 @!p0 s5, $0x0  }
0x1f: {  	s9 =	smul.u32 $0xF7A, s1;
	s8 =	simm.s32 @!p0 $0x1BF5;
	p2 =	por !p2, p0  }
0x20: {  	[sflag:s8] =	ssyncset.s32 @!p0 $0xFFFFF086;
	s6 =	sadd.s32 @!p0 s3, s7;
	s7 =	simm.s32 @!p0 $0x108  }
0x21: {  	s3 =	sadd.s32 s3, s9;
	s6 =	sadd.s32 @!p0 $0x88, s6;
	s7 =	simm.s32 @p2 $0x1082  }
0x22: {  	[simem:s7], [sflag:s8] =	dma.local @!p0 [hbm:s6], $0xF7A  }
0x23: {  	s9 =	sor.u32 $0xD0000000, s2;
	s6 =	simm.s32 $0x108;
	_ =	swait.ge @!p0 [sflag:s8], $0x0  }
0x24: {  	s3 =	sadd.s32 $0x88, s3;
	s6 =	simm.s32 @!p1 $0x1082;
	[sflag:s4] =	ssyncset.s32 $0xFFFFF086  }
0x25: {  	[simem:s6], [sflag:s4] =	dma.local [hbm:s3], $0xF7A  }
0x26: {  	[smem:$0x3F90] =	sst s1;
	(tag) =	ssettag s2;
	_ =	strace s9  }
0x27: {  	s1 =	sld [smem:$0x3FA0]  }
0x28: {  	s2 =	sld [smem:$0x3FA1]  }
0x29: {  	s4 =	sld [smem:$0x3FA3]  }
0x2a: {  	p0 =	seq.s32 s5, $0x0;
	s5 =	sld [smem:$0x3FA4]  }
0x2b: {  	s6 =	sld [smem:$0x3FA5]  }
0x2c: {  	s7 =	sld [smem:$0x3FA6]  }
0x2d: {  	s3 =	simm.s32 $0x108;
	s8 =	sld [smem:$0x3FA7]  }
0x2e: {  	s3 =	simm.s32 @!p0 $0x1082;
	s9 =	sld [smem:$0x3FA8]  }
0x2f: {  	lr =	sadd.s32 s0, s3;
	s0 =	sld [smem:$0x3F9F]  }
0x30: {  	s3 =	sld [smem:$0x3FA2]  }
0x31: {  	[smem:$0x3FAB] =	sst s10  }
0x32: {  	s10 =	sld [smem:$0x3FA9];
	_ =	sdelay $0x3  }
0x33: {  	p0 =	seq.s32 s10, $0x1;
	s10 =	sld [smem:$0x3FAB];
	_ =	sdelay $0x3  }
0x34: {  	[smem:$0x3FAB] =	sst s10  }
0x35: {  	s10 =	sld [smem:$0x3FAA];
	_ =	sdelay $0x3  }
0x36: {  	p1 =	seq.s32 s10, $0x1;
	s10 =	sld [smem:$0x3FAB];
	_ =	sdelay $0x3  }
0x37: {  	[smem:$0x3FAB] =	sst s10  }
0x38: {  	s10 =	sld [smem:$0x3FAC]  }
0x39: {  	_ = 	snop;
	(pc) =	sbr.ind lr, $3  }
0x3a: {  	_ = 	snop  }
0x3b: {  	_ = 	snop  }
0x3c: {  	p2 =	seq.s32 s10, $0x1;
	s10 =	sld [smem:$0x3FAB]  }
0x3d: {  	_ =	shalt  }
0x3e: {  	_ =	shalt  }
0x3f: {  	_ =	shalt  }
0x40: {  	_ =	shalt  }
0x41: {  	_ =	shalt  }
0x42: {  	_ =	shalt  }
0x43: {  	_ =	shalt  }
0x44: {  	_ =	shalt  }
0x45: {  	_ =	shalt  }
0x46: {  	_ =	shalt  }
0x47: {  	_ =	shalt  }
0x48: {  	_ =	shalt  }
0x49: {  	_ =	shalt  }
0x4a: {  	_ =	shalt  }
0x4b: {  	_ =	shalt  }
0x4c: {  	_ =	shalt  }
0x4d: {  	_ =	shalt  }
0x4e: {  	_ =	shalt  }
0x4f: {  	_ =	shalt  }
0x50: {  	_ =	shalt  }
0x51: {  	_ =	shalt  }
0x52: {  	_ =	shalt  }
0x53: {  	_ =	shalt  }
0x54: {  	_ =	shalt  }
0x55: {  	_ =	shalt  }
0x56: {  	_ =	shalt  }
0x57: {  	_ =	shalt  }
0x58: {  	_ =	shalt  }
0x59: {  	_ =	shalt  }
0x5a: {  	_ =	shalt  }
0x5b: {  	_ =	shalt  }
0x5c: {  	_ =	shalt  }
0x5d: {  	_ =	shalt  }
0x5e: {  	_ =	shalt  }
0x5f: {  	_ =	shalt  }
0x60: {  	_ =	shalt  }
0x61: {  	_ =	shalt  }
0x62: {  	_ =	shalt  }
0x63: {  	_ =	shalt  }
0x64: {  	_ =	shalt  }
0x65: {  	_ =	shalt  }
0x66: {  	_ =	shalt  }
0x67: {  	_ =	shalt  }
0x68: {  	_ =	shalt  }
0x69: {  	_ =	shalt  }
0x6a: {  	_ =	shalt  }
0x6b: {  	_ =	shalt  }
0x6c: {  	_ =	shalt  }
0x6d: {  	_ =	shalt  }
0x6e: {  	_ =	shalt  }
0x6f: {  	_ =	shalt  }
0x70: {  	_ =	shalt  }
0x71: {  	_ =	shalt  }
0x72: {  	_ =	shalt  }
0x73: {  	_ =	shalt  }
0x74: {  	_ =	shalt  }
0x75: {  	_ =	shalt  }
0x76: {  	_ =	shalt  }
0x77: {  	_ =	shalt  }
0x78: {  	_ =	shalt  }
0x79: {  	_ =	shalt  }
0x7a: {  	_ =	shalt  }
0x7b: {  	_ =	shalt  }
0x7c: {  	_ =	shalt  }
0x7d: {  	_ =	shalt  }
0x7e: {  	_ =	shalt  }
0x7f: {  	_ =	shalt  }
0x80: {  	_ =	shalt  }
0x81: {  	_ =	shalt  }
0x82: {  	_ =	shalt  }
0x83: {  	_ =	shalt  }
0x84: {  	_ =	shalt  }
0x85: {  	_ =	shalt  }
0x86: {  	_ =	shalt  }
0x87: {  	_ =	shalt  }
.Lfunc_end0:
.L_simem_size_0:
called_computation.3_lowered:
.L_overlay_start_0:
0x88: {  	s2 =	sld [smem:$0x3FD9]  }
0x89: {  	s3 =	sld [smem:$0x3FFE];
	_ =	sdelay $0x1  }
0x8a: {  	s1 =	srdreg.scid  }
0x8b: {  	s0 =	sand.u32 $0x1, s1  }
0x8c: {  	s16 =	sshll.u32 s0, $0xA;
	s2 =	sadd.s32 s3, s2  }
0x8d: {  	s2 =	sadd.s32 s2, s16  }
0x8e: {  	[smem:$0x3FB7] =	sst s2  }
0x8f: {  	_ = 	snop  }
0x90: {  	(tm) =	ssettm $0x1  }
0x91: {  	s17 =	sld [smem:$0x3FFB];
	_ =	sdelay $0x3  }
0x92: {  	_ =	strace s17  }
0x93: {  	s2 =	sld [smem:$0x3FFC];
	_ =	sdelay $0x3  }
0x94: {  	_ =	strace s2  }
0x95: {  	s2 =	sld [smem:$0x3FFD];
	_ =	sdelay $0x3  }
0x96: {  	_ =	strace s2  }
0x97: {  	_ =	strace $0x8FFFFFFF  }
0x98: {  	s18 =	sld [smem:$0x3FDB];
	_ =	sdelay $0x1  }
0x99: {  	s19 =	simm.s32 $_scs_section_size  }
0x9a: {  	s4 =	simm.s32 $_size__tile_overlayer_lowered;
	s5 =	simm.s32 $_tile_overlayer_lowered  }
0x9b: {  	s22 =	simm.s32 $0x1BFF;
	s21 =	sshll.u32 s5, $0x1;
	s2 =	sadd.s32 s19, s18  }
0x9c: {  	s6 =	simm.s32 $0x0;
	s20 =	sshll.u32 s4, $0x1;
	s4 =	sadd.s32 s21, s2  }
0x9d: {  	[timem:s6], [sflag:s22] =	dma.local [hbm:s4], s20  }
0x9e: {  	_ =	swait.ge [sflag:s22], s20  }
0x9f: {  	s3 =	ssub.s32 $0x0, s20;
	[sflag:s22] =	ssyncset.done $0x0  }
0xa0: {  	[sflag:s22] =	ssyncadd.s32 s3;
	_ =	sdelay $0x1  }
0xa1: {  	s23 =	simm.s32 $0x1B8B  }
0xa2: {  	_ =	swait.ge [sflag:s23], $0x1  }
0xa3: {  	[sflag:s23] =	ssyncset.done $0x0  }
0xa4: {  	s25 =	simm.s32 $0x1B8E;
	s24 =	sld [smem:$0x3FFE];
	[sflag:s23] =	ssyncadd.s32 $0xFFFFFFFF  }
0xa5: {  	s26 =	simm.s32 $execute0_lowered;
	[smem:$0x3FD2] =	sst s25  }
0xa6: {  	s4 =	sshll.u32 s26, $0x1;
	_ =	strace $0x8000004F;
	[dreg:$0x1] =	wrdreg $0xFFFFFFFF  }
0xa7: {  	s28 =	simm.s32 $_size_execute0_lowered;
	s2 =	sadd.s32 s2, s4;
	[dreg:$0x0] =	wrdreg $0x0  }
0xa8: {  	s4 =	sshll.u32 s28, $0x1;
	[dreg:$0x2] =	wrdreg s2  }
0xa9: {  	[dreg:$0x3] =	wrdreg s4  }
0xaa: {  	[dreg:$0x4] =	wrdreg $0xC0  }
0xab: {  	_ =	task [dreg:s6], $0x5FFFF  }
0xac: {  	[dreg:$0x1] =	wrdreg $0xFFFFFFFF  }
0xad: {  	[dreg:$0x0] =	wrdreg $0x60  }
0xae: {  	[dreg:$0x2] =	wrdreg s24  }
0xaf: {  	[dreg:$0x3] =	wrdreg $0x90000  }
0xb0: {  	[dreg:$0x4] =	wrdreg $0x9  }
0xb1: {  	_ =	task.clear_ibuf [dreg:s6], $0x5FFFF;
	_ =	strace $0x9000004F  }
0xb2: {  	s29 =	simm.s32 $0x9;
	_ =	strace $0x80000051  }
0xb3: {  	_ =	swait.ge [sflag:s29], $0x1  }
0xb4: {  	[sflag:s29] =	ssyncadd.s32 $0xFFFFFFFF  }
0xb5: {  	_ =	strace $0x90000051  }
0xb6: {  	_ =	sfence  }
0xb7: {  	s30 =	sld [smem:$0x0];
	_ =	sdelay $0x2  }
0xb8: {  	s31 =	sshll.u32 s1, $0xD;
	s1 =	sshrl.u32 s1, $0x2  }
0xb9: {  	s3 =	sand.u32 $0x4000, s31;
	s1 =	sadd.s32 s1, s30  }
0xba: {  	s0 =	sor.u32 s3, s0;
	s1 =	sshll.u32 s1, $0x11  }
0xbb: {  	s0 =	sor.u32 s1, s0  }
0xbc: {  	s0 =	sadd.s32 $0x8F2B, s0  }
0xbd: {  	[sflag:s0] =	ssyncadd.remote.s32 $0x1  }
0xbe: {  	_ =	sfence.sel $0xFFFF  }
0xbf: {  	[dreg:$0x0] =	wrdreg $0xFFFFFFFF;
	(pc) =	sbr.abs _section_cstart, $3  }
0xc0: {  	[dreg:$0x1] =	wrdreg $0xFFFFFFFF  }
0xc1: {  	_ =	task.clear_ibuf [dreg:s6], $0x2FFFF;
	_ =	strace $0x9FFFFFFF  }
0xc2: {  	(tm) =	ssettm $0x7FFFFFFF  }
0xc3: {  	_ =	shalt  }
tec
execute0_lowered:
.L_overlay_start_1:
0x0: {  	(tag) =	ssettag $0x1  }
0x1: {  	s1 =	srdreg.scid;
	s5 =	rddreg [dreg:$0x0]  }
0x2: {  	s0 =	stileid.u32;
	s2 =	rddreg [dreg:$0x1];
	s14 =	simm.s32 $0x2800  }
0x3: {  	s15 =	simm.s32 $0x5000;
	s16 =	simm.s32 $0x1;
	s6 =	sand.u32 $0x1, s1  }
0x4: {  	s25 =	sshll.u32 s0, $0x1;
	s3 =	sshrl.u32 s0, $0x2;
	s17 =	smul.u32 $0x2800, s0  }
0x5: {  	s1 =	rddreg [dreg:$0x2];
	s10 =	smul.u32 $0x50000, s0;
	s31 =	sshll.u32 s0, $0x6  }
0x6: {  	s4 =	sor.u32 s6, s25;
	s7 =	smul.u32 $0x14000, s3;
	s3 =	simm.s32 $0x0  }
0x7: {  	s26 =	smul.u32 $0x28000, s6;
	s6 =	ssub.s32 $0x2, s6;
	s8 =	sshll.u32 s4, $0x7  }
0x8: {  	s4 =	smul.u32 $0x500, s4;
	[smem:$0x7FF] =	sst s3;
	s11 =	sadd.s32 s17, s5  }
0x9: {  	s28 =	sshrl.u32 s6, $0x1;
	s29 =	sshrl.u32 s10, $0x2;
	s8 =	sand.u32 $0x380, s8  }
0xa: {  	_ =	strace $0x80000050;
	s12 =	sadd.s32 s26, s5;
	s30 =	ssub.s32 s6, s28  }
0xb: {  	s13 =	sadd.s32 s29, s2;
	s6 =	sor.u32 $0x1C02, s31;
	s7 =	sor.u32 s7, s8  }
0xc: {  	s9 =	sadd.s32 s4, s5;
	s4 =	sadd.s32 $0x17E00, s5;
	s18 =	sadd.s32 $0x67E00, s12  }
0xd: {  	s10 =	sshrl.u32 s13, $0x3;
	s12 =	simm.s32 $0x80;
	s13 =	simm.s32 $0x400  }
0xe: {  	s7 =	sshrl.u32 s7, $0x3;
	s8 =	sadd.s32 $0xDE00, s9;
	s9 =	smax.u32 s30, $0x1  }
0xf: {  	s17 =	sadd.s32 s17, s18;
	s18 =	simm.s32 $0x0;
	s7 =	sadd.s32 s7, s5  }
0x10: {  	s5 =	sadd.s32 $0x3FE00, s11;
	s11 =	simm.s32 $0x2;
	s7 =	sadd.s32 $0x3E00, s7  }
.LBB2_1:
0x11: {  	[spmem:s10], [sflag:s6] =	dma.local [hbm:s5], $0x2800  }
0x12: {  	_ =	swait.ge [sflag:s11], $0x2800  }
0x13: {  	[sflag:s11] =	ssyncset.done $0x0  }
0x14: {  	[sflag:s11] =	ssyncadd.s32 $0xFFFFD800  }
0x15: {  	[tilespmem:s3], [sflag:$0x2] =	stream.strided.gather [hbm4b:s7+s12], $0x2800, s13, s12, $0x38;
	[tilespmem:$0x1D000] =	vst v63  }
0x16: {  	_ =	swait.ge [sflag:s11], $0x2800  }
0x17: {  	[sflag:s11] =	ssyncset.done $0x0  }
0x18: {  	[sflag:s11] =	ssyncadd.s32 $0xFFFFD800  }
0x19: {  	[tilespmem:s14], [sflag:$0x2] =	stream.linear.gather [hbm4b:s8+s3], $0x2800, $0x38;
	[tilespmem:$0x1D000] =	vst v63  }
0x1a: {  	_ =	swait.ge [sflag:s11], $0x2800  }
0x1b: {  	[sflag:s11] =	ssyncset.done $0x0  }
0x1c: {  	[sflag:s11] =	ssyncadd.s32 $0xFFFFD800  }
0x1d: {  	s19 =	simm.s32 $0x0;
	[bflag:$0x0] =	sbarrier.arrive $0xFFFF  }
0x1e: {  	[tilespmem:s15], [sflag:$0x1] =	stream.indirect.gather [hbm4b:s4+s12], $0x80, s19, s12, $0xb8;
	[tilespmem:$0x1D000] =	vst v63  }
0x1f: {  	_ =	swait.ge [sflag:s16], $0x4000  }
0x20: {  	[sflag:s16] =	ssyncset.done $0x0  }
0x21: {  	s31 =	simm.s32 $0x2800;
	[sflag:s16] =	ssyncadd.s32 $0xFFFFC000  }
0x22: {  	[spmem:s2] =	stream.indirect.scatter.add.f32 [tilespmem:s15], [sflag:$0x2], $0x80, s31, s12, $0xb8;
	[tilespmem:$0x1D000] =	vst v63  }
0x23: {  	_ =	swait.ge [sflag:s11], $0x4000  }
0x24: {  	s20 =	simm.s32 $0x400;
	s19 =	simm.s32 $0x200;
	[sflag:s11] =	ssyncset.done $0x0  }
.LBB2_2:
0x25: {  	s21 =	sshra.s32 s19, $0x2  }
0x26: {  	[sflag:s11] =	ssyncadd.s32 $0xFFFFC000;
	s19 =	smov.u32 s20;
	s22 =	sadd.s32 $0x200, s20  }
0x27: {  	[tilespmem:s15], [sflag:$0x1] =	stream.indirect.gather [hbm4b:s4+s12], $0x80, s21, s12, $0xb8;
	[tilespmem:$0x1D000] =	vst v63  }
0x28: {  	p0 =	sne.s32 s20, $0x9E00;
	_ =	swait.ge [sflag:s16], $0x4000  }
.Ltmp0:
0x29: {  	[sflag:s16] =	ssyncset.done $0x0;
	(pc) =	sbr.rel @p0 .LBB2_2-.Ltmp0, $4  }
0x2a: {  	s20 =	sadd.s32 $0x2800, s21;
	[sflag:s16] =	ssyncadd.s32 $0xFFFFC000  }
0x2b: {  	[spmem:s2] =	stream.indirect.scatter.add.f32 [tilespmem:s15], [sflag:$0x2], $0x80, s20, s12, $0xb8;
	[tilespmem:$0x1D000] =	vst v63  }
0x2c: {  	_ =	swait.ge [sflag:s11], $0x4000  }
0x2d: {  	s20 =	smov.u32 s22;
	[sflag:s11] =	ssyncset.done $0x0  }
0x2e: {  	s19 =	sshra.s32 s19, $0x2;
	[sflag:s11] =	ssyncadd.s32 $0xFFFFC000  }
0x2f: {  	[tilespmem:s15], [sflag:$0x1] =	stream.indirect.gather [hbm4b:s4+s12], $0x80, s19, s12, $0xb8;
	[tilespmem:$0x1D000] =	vst v63  }
0x30: {  	_ =	swait.ge [sflag:s16], $0x4000  }
0x31: {  	[sflag:s16] =	ssyncset.done $0x0  }
0x32: {  	s19 =	sadd.s32 $0x2800, s19;
	[sflag:s16] =	ssyncadd.s32 $0xFFFFC000  }
0x33: {  	[spmem:s2] =	stream.indirect.scatter.add.f32 [tilespmem:s15], [sflag:$0x2], $0x80, s19, s12, $0xb8;
	[tilespmem:$0x1D000] =	vst v63  }
0x34: {  	_ =	swait.ge [sflag:s11], $0x4000  }
0x35: {  	s18 =	sadd.s32 $0x1, s18;
	[sflag:s11] =	ssyncset.done $0x0  }
0x36: {  	p0 =	sne.s32 s18, s9;
	[sflag:s11] =	ssyncadd.s32 $0xFFFFC000  }
.Ltmp1:
0x37: {  	[bflag:$0x0] =	sbarrier.arrive $0xFFFF;
	(pc) =	sbr.rel @p0 .LBB2_1-.Ltmp1, $4  }
0x38: {  	[hbm:s17], [sflag:s6] =	dma.local [spmem:s10], $0x2800  }
0x39: {  	_ =	swait.ge [sflag:s11], $0x2800  }
0x3a: {  	[sflag:s11] =	ssyncset.done $0x0  }
0x3b: {  	[sflag:s11] =	ssyncadd.s32 $0xFFFFD800  }
0x3c: {  	_ =	sfence.sel $0x180000  }
0x3d: {  	[bflag:$0x0] =	sbarrier.arrive $0xFFFF  }
0x3e: {  	p0 =	sne.s32 s0, $0x0;
	_ =	strace $0x90000050  }
0x3f: {  	s0 =	sadd.s32 @!p0 $0x100000, s1;
	[bflag:$0x2] =	sbarrier.arrive $0xFFFF  }
0x40: {  	[sflag:s0] =	ssyncadd.tile.s32 @!p0 $0x1;
	_ =	shalt  }
.Lfunc_end2:
_tile_overlayer_lowered:
.L_overlay_start_2:
0x41: {  	(tag) =	ssettag $0x2  }
0x42: {  	s0 =	rddreg [dreg:$0x0];
	s2 =	stileid.u32  }
0x43: {  	s1 =	rddreg [dreg:$0x1];
	p0 =	sne.s32 s2, $0x0  }
0x44: {  	s3 =	rddreg [dreg:$0x2];
	[bflag:$0x3] =	sbarrier.arrive $0xFFFF;
	s2 =	simm.s32 @!p0 $0x1C02  }
0x45: {  	[timem:s3], [sflag:s2] =	dma.local @!p0 [hbm:s0], s1  }
0x46: {  	s0 =	simm.s32 @!p0 $0x2  }
0x47: {  	_ =	swait.ge @!p0 [sflag:s0], s1  }
0x48: {  	s1 =	ssub.s32 @!p0 $0x0, s1;
	[sflag:s0] =	ssyncset.done @!p0 $0x0  }
0x49: {  	[sflag:s0] =	ssyncadd.s32 @!p0 s1  }
0x4a: {  	[bflag:$0x3] =	sbarrier.arrive $0xFFFF  }
0x4b: {  	_ =	shalt  }

</sc_bundles>
